<compile_context>
chip_gen: v7x
topology: tpu7x:2x2x1
jax: 0.10.2.dev20260603
libtpu: 0.0.44.dev20260713+nightly
codegen_flags: <defaults>
</compile_context>

<pallas_src>
import functools

import jax
import jax.numpy as jnp
from jax import lax
from jax.experimental import pallas as pl
from jax.experimental.pallas import tpu as pltpu
from jax.experimental.pallas import tpu_sc as plsc

NUM_EMBED = 8192
EMBED_DIM = 256
BETA = 0.25
TOK = 16384
TBLK = 512
GRID = TOK // TBLK
NCHUNK = 8
CW = NUM_EMBED // NCHUNK
LBLK = 2048


def _wnorm_body(w_ref, wn_ref):
    w = w_ref[...]
    wn = w / jnp.maximum(
        jnp.sqrt(jnp.sum(w * w, axis=1, keepdims=True)), 1e-12)
    wn_ref[...] = wn.astype(jnp.bfloat16)


def _wnorm(weight):
    return pl.pallas_call(
        _wnorm_body,
        out_shape=jax.ShapeDtypeStruct((NUM_EMBED, EMBED_DIM), jnp.bfloat16),
    )(weight)


def _top1_body(z_ref, wn_ref, idx_ref):
    z = z_ref[...]
    zn = (z / jnp.maximum(
        jnp.sqrt(jnp.sum(z * z, axis=1, keepdims=True)), 1e-12)
          ).astype(jnp.bfloat16)
    m = jnp.full((TBLK,), -jnp.inf, jnp.float32)
    idx = jnp.zeros((TBLK,), jnp.int32)
    col0 = lax.broadcasted_iota(jnp.int32, (TBLK, CW), 1)
    for c in range(NCHUNK):
        wc = wn_ref[pl.ds(c * CW, CW), :]
        dc = lax.dot_general(zn, wc, (((1,), (1,)), ((), ())),
                             preferred_element_type=jnp.float32)
        mc = jnp.max(dc, axis=1)
        idxc = jnp.max(jnp.where(dc >= mc[:, None], col0, -1), axis=1)
        take = mc >= m
        idx = jnp.where(take, idxc + c * CW, idx)
        m = jnp.where(take, mc, m)
    idx_ref[0, 0, :] = idx


def _top1(z_flat, wn):
    idx3 = pl.pallas_call(
        _top1_body,
        grid=(GRID,),
        in_specs=[
            pl.BlockSpec((TBLK, EMBED_DIM), lambda i: (i, 0)),
            pl.BlockSpec((NUM_EMBED, EMBED_DIM), lambda i: (0, 0)),
        ],
        out_specs=pl.BlockSpec((1, 1, TBLK), lambda i: (i, 0, 0)),
        out_shape=jax.ShapeDtypeStruct((GRID, 1, TBLK), jnp.int32),
    )(z_flat, wn)
    return idx3.reshape(TOK)


def _gather_rows(weight, idx):
    info = plsc.get_sparse_core_info()
    NW = info.num_cores * info.num_subcores
    b_per_w = TOK // NW
    n_chunks = b_per_w // 128
    mesh = plsc.VectorSubcoreMesh(core_axis_name="c", subcore_axis_name="s")

    @functools.partial(
        pl.kernel, mesh=mesh,
        out_type=jax.ShapeDtypeStruct((TOK, EMBED_DIM), jnp.float32),
        scratch_types=[
            pltpu.VMEM((n_chunks, 128), jnp.int32),
            pltpu.VMEM((128, EMBED_DIM), jnp.float32),
            pltpu.VMEM((128, EMBED_DIM), jnp.float32),
            pltpu.SemaphoreType.DMA,
            pltpu.SemaphoreType.DMA,
        ],
    )
    def k(w_hbm, idx_hbm, out_hbm, idx_v, rows0, rows1, sem0, sem1):
        wid = lax.axis_index("s") * info.num_cores + lax.axis_index("c")
        base = wid * b_per_w
        rows = (rows0, rows1)
        sems = (sem0, sem1)
        pltpu.sync_copy(idx_hbm.at[pl.ds(wid * n_chunks, n_chunks)], idx_v)
        cps = [None, None]
        cps[0] = pltpu.async_copy(w_hbm.at[idx_v.at[0]], rows[0], sems[0])
        for j in range(n_chunks):
            cps[j % 2].wait()
            if j + 1 < n_chunks:
                nb = (j + 1) % 2
                cps[nb] = pltpu.async_copy(
                    w_hbm.at[idx_v.at[j + 1]], rows[nb], sems[nb])
            pltpu.sync_copy(rows[j % 2],
                            out_hbm.at[pl.ds(base + j * 128, 128)])

    return k(weight, idx.reshape(TOK // 128, 128))


def _stats_body(zq_ref, z_ref, idx_ref, st_ref, loss_ref, perp_ref,
                acc_ref, c_ref):
    step = pl.program_id(0)

    @pl.when(step == 0)
    def _init():
        acc_ref[0] = 0.0
        c_ref[...] = jnp.zeros_like(c_ref)

    z = z_ref[...]
    diff = zq_ref[...] - z
    st_ref[...] = z + diff
    acc_ref[0] += jnp.sum(diff * diff)

    idx = idx_ref[0, 0, :]
    hi = idx >> 7
    lo = idx & 127
    hh = (lax.broadcasted_iota(jnp.int32, (64, LBLK), 0)
          == hi[None, :]).astype(jnp.float32)
    hl = (lo[:, None]
          == lax.broadcasted_iota(jnp.int32, (LBLK, 128), 1)).astype(jnp.float32)
    c_ref[...] += lax.dot_general(hh, hl, (((1,), (0,)), ((), ())),
                                  preferred_element_type=jnp.float32)

    @pl.when(step == pl.num_programs(0) - 1)
    def _finish():
        loss_ref[0, 0] = acc_ref[0] * ((1.0 + BETA) / (TOK * EMBED_DIM))
        p = c_ref[...] * (1.0 / TOK)
        ent = -jnp.sum(p * jnp.log(p + 1e-10))
        perp_ref[0, 0] = jnp.exp(ent)


def _stats(z_q, z_flat, idx):
    st, loss, perp = pl.pallas_call(
        _stats_body,
        grid=(TOK // LBLK,),
        in_specs=[
            pl.BlockSpec((LBLK, EMBED_DIM), lambda i: (i, 0)),
            pl.BlockSpec((LBLK, EMBED_DIM), lambda i: (i, 0)),
            pl.BlockSpec((1, 1, LBLK), lambda i: (i, 0, 0)),
        ],
        out_specs=[
            pl.BlockSpec((LBLK, EMBED_DIM), lambda i: (i, 0)),
            pl.BlockSpec(memory_space=pltpu.SMEM),
            pl.BlockSpec(memory_space=pltpu.SMEM),
        ],
        out_shape=[
            jax.ShapeDtypeStruct((TOK, EMBED_DIM), jnp.float32),
            jax.ShapeDtypeStruct((1, 1), jnp.float32),
            jax.ShapeDtypeStruct((1, 1), jnp.float32),
        ],
        scratch_shapes=[
            pltpu.SMEM((1,), jnp.float32),
            pltpu.VMEM((64, 128), jnp.float32),
        ],
    )(z_q, z_flat, idx.reshape(TOK // LBLK, 1, LBLK))
    return st, loss[0, 0], perp[0, 0]


def kernel(z, weight):
    b, c, h, w = z.shape
    z_flat = jnp.transpose(z, (0, 2, 3, 1)).reshape(TOK, EMBED_DIM)
    wn = _wnorm(weight)
    encoding_indices = _top1(z_flat, wn)
    z_q = _gather_rows(weight, encoding_indices)
    z_q_st, loss, perplexity = _stats(z_q, z_flat, encoding_indices)
    z_q_out = jnp.transpose(z_q_st.reshape(b, h, w, c), (0, 3, 1, 2))
    return z_q_out, loss, perplexity, encoding_indices

# --- scband reference (transcript-rebuilt; emitter-appended) ---
"""Pipeline reference for scband-vector-quantiser-30794915512876 (READ-ONLY COPY).

The authoritative reference and input builder live on the scoring server;
editing this copy changes nothing except your own understanding.
"""

import jax, jax.numpy as jnp
import numpy as np

NUM_EMBED = 8192
EMBED_DIM = 256
BETA = 0.25


def _normalize(x, axis=1, eps=1e-12):
    n = jnp.linalg.norm(x, axis=axis, keepdims=True)
    return x / jnp.maximum(n, eps)


def setup_inputs(seed: int = 0) -> dict:
    key = jax.random.key(seed)
    k1, k2 = jax.random.split(key)
    z = jax.random.normal(k1, (16, EMBED_DIM, 32, 32), dtype=jnp.float32)
    weight = jax.random.uniform(k2, (NUM_EMBED, EMBED_DIM), dtype=jnp.float32,
                                minval=-1.0 / NUM_EMBED, maxval=1.0 / NUM_EMBED)
    return {"z": z, "weight": weight}


def reference(z, weight):
    # z: [b, c, h, w] -> [b, h, w, c]
    zp = jnp.transpose(z, (0, 2, 3, 1))
    z_flattened = zp.reshape(-1, EMBED_DIM)
    # cosine distance
    normed_z = jax.lax.stop_gradient(_normalize(z_flattened, axis=1))
    normed_codebook = _normalize(weight, axis=1)
    d = jnp.einsum('bd,dn->bn', normed_z, normed_codebook.T)
    # sort along dim=1, take the last index (closest under cosine sim)
    indices = jnp.argsort(d, axis=1)
    encoding_indices = indices[:, -1]
    # one-hot encodings (torch scatter_ of ones)
    encodings = jax.nn.one_hot(encoding_indices, NUM_EMBED, dtype=zp.dtype)
    # quantized latents
    z_q = jnp.matmul(encodings, weight).reshape(zp.shape)
    # commitment + codebook loss
    loss = BETA * jnp.mean((jax.lax.stop_gradient(z_q) - zp) ** 2) \
           + jnp.mean((z_q - jax.lax.stop_gradient(zp)) ** 2)
    # straight-through estimator
    z_q_st = zp + jax.lax.stop_gradient(z_q - zp)
    z_q_out = jnp.transpose(z_q_st, (0, 3, 1, 2))
    # perplexity
    avg_probs = jnp.mean(encodings, axis=0)
    perplexity = jnp.exp(-jnp.sum(avg_probs * jnp.log(avg_probs + 1e-10)))
    return z_q_out, loss, perplexity, encoding_indices

if __name__ == "__main__":
    import jax
    _d = setup_inputs()
    print(jax.jit(kernel)(*tuple(_d.values())))

</pallas_src>

<mosaic_0001>
#map = affine_map<(d0, d1) -> (0, 0)>
module attributes {stable_mosaic.version = 14 : i64} {
  func.func @k(%arg0: i32, %arg1: i32, %arg2: memref<8192x256xf32, #tpu.memory_space<hbm>>, %arg3: memref<128x128xi32, #tpu.memory_space<hbm>>, %arg4: memref<16384x256xf32, #tpu.memory_space<hbm>>, %arg5: memref<4x128xi32, #tpu.memory_space<vmem>>, %arg6: memref<128x256xf32, #tpu.memory_space<vmem>>, %arg7: memref<128x256xf32, #tpu.memory_space<vmem>>, %arg8: memref<!tpu.dma_semaphore, #tpu.memory_space<semaphore_mem>>, %arg9: memref<!tpu.dma_semaphore, #tpu.memory_space<semaphore_mem>>) attributes {dimension_semantics = [#tpu.dimension_semantics<core_parallel>, #tpu.dimension_semantics<subcore_parallel>], iteration_bounds = array<i64: 2, 16>, scalar_prefetch = 0 : i64, scratch_operands = 5 : i64, tpu.core_type = #tpu.core_type<sc_vector_subcore>, window_params = [{transform_indices = #map}, {transform_indices = #map}, {transform_indices = #map}]} {
    %mul3A = arith.constant 2 : i32
    %mul3A_0 = arith.muli %arg1, %mul3A : i32
    %add3A = arith.addi %mul3A_0, %arg0 : i32
    %mul3A_1 = arith.constant 512 : i32
    %mul3A_2 = arith.muli %add3A, %mul3A_1 : i32
    %mul3A_3 = arith.constant 4 : i32
    %mul3A_4 = arith.muli %add3A, %mul3A_3 : i32
    "tpu.region"() ({
      %run_scoped3A = tpu.sem_alloc : memref<!tpu.dma_semaphore, #tpu.memory_space<semaphore_mem>>
      %dma_start3A_67 = arith.constant 0 : i32
      %dma_start3A_68 = tpu.memref_slice %arg3[%mul3A_4, %dma_start3A_67] : memref<128x128xi32, #tpu.memory_space<hbm>> -> memref<4x128xi32, #tpu.memory_space<hbm>>
      %dma_start3A_69 = arith.constant 0 : i32
      %dma_start3A_70 = tpu.memref_slice %arg3[%mul3A_4, %dma_start3A_69] : memref<128x128xi32, #tpu.memory_space<hbm>> -> memref<4x128xi32, #tpu.memory_space<hbm>>
      tpu.enqueue_dma source(%dma_start3A_70 : memref<4x128xi32, #tpu.memory_space<hbm>>) target(%arg5 : memref<4x128xi32, #tpu.memory_space<vmem>>) target_semaphore(%run_scoped3A : memref<!tpu.dma_semaphore, #tpu.memory_space<semaphore_mem>>)
      %dma_wait3A_71 = arith.constant 0 : i32
      %dma_wait3A_72 = tpu.memref_slice %arg3[%mul3A_4, %dma_wait3A_71] : memref<128x128xi32, #tpu.memory_space<hbm>> -> memref<4x128xi32, #tpu.memory_space<hbm>>
      %dma_wait3A_73 = arith.constant 0 : i32
      %dma_wait3A_74 = tpu.memref_slice %arg3[%mul3A_4, %dma_wait3A_73] : memref<128x128xi32, #tpu.memory_space<hbm>> -> memref<4x128xi32, #tpu.memory_space<hbm>>
      tpu.wait_dma2 semaphore(%run_scoped3A : memref<!tpu.dma_semaphore, #tpu.memory_space<semaphore_mem>>) src(%dma_wait3A_74 : memref<4x128xi32, #tpu.memory_space<hbm>>) dst(%arg5 : memref<4x128xi32, #tpu.memory_space<vmem>>)
      tpu.yield
    }) : () -> ()
    %dma_start3A = arith.constant 0 : i32
    %dma_start3A_5 = arith.constant 0 : i32
    %dma_start3A_6 = tpu.memref_slice %arg5[%dma_start3A, %dma_start3A_5] : memref<4x128xi32, #tpu.memory_space<vmem>> -> memref<1x128xi32, #tpu.memory_space<vmem>>
    %dma_start3A_7 = tpu.memref_squeeze %dma_start3A_6 : memref<1x128xi32, #tpu.memory_space<vmem>> -> memref<128xi32, #tpu.memory_space<vmem>>
    %dma_start3A_8 = arith.constant 0 : i32
    %dma_start3A_9 = arith.constant 0 : i32
    %dma_start3A_10 = tpu.memref_slice %arg2[%dma_start3A_8, %dma_start3A_9] : memref<8192x256xf32, #tpu.memory_space<hbm>> -> memref<8192x256xf32, #tpu.memory_space<hbm>>
    tpu.enqueue_indirect_dma source(%dma_start3A_10 : memref<8192x256xf32, #tpu.memory_space<hbm>>) target(%arg6 : memref<128x256xf32, #tpu.memory_space<vmem>>) offsets(%dma_start3A_7 : memref<128xi32, #tpu.memory_space<vmem>>) semaphore(%arg8 : memref<!tpu.dma_semaphore, #tpu.memory_space<semaphore_mem>>)
    %dma_wait3A = arith.constant 0 : i32
    %dma_wait3A_11 = arith.constant 0 : i32
    %dma_wait3A_12 = tpu.memref_slice %arg5[%dma_wait3A, %dma_wait3A_11] : memref<4x128xi32, #tpu.memory_space<vmem>> -> memref<1x128xi32, #tpu.memory_space<vmem>>
    %dma_wait3A_13 = tpu.memref_squeeze %dma_wait3A_12 : memref<1x128xi32, #tpu.memory_space<vmem>> -> memref<128xi32, #tpu.memory_space<vmem>>
    %dma_wait3A_14 = arith.constant 0 : i32
    %dma_wait3A_15 = arith.constant 0 : i32
    %dma_wait3A_16 = tpu.memref_slice %arg2[%dma_wait3A_14, %dma_wait3A_15] : memref<8192x256xf32, #tpu.memory_space<hbm>> -> memref<8192x256xf32, #tpu.memory_space<hbm>>
    tpu.wait_indirect_dma semaphore(%arg8 : memref<!tpu.dma_semaphore, #tpu.memory_space<semaphore_mem>>) src(%dma_wait3A_16 : memref<8192x256xf32, #tpu.memory_space<hbm>>) dst(%arg6 : memref<128x256xf32, #tpu.memory_space<vmem>>)
    %dma_start3A_17 = arith.constant 1 : i32
    %dma_start3A_18 = arith.constant 0 : i32
    %dma_start3A_19 = tpu.memref_slice %arg5[%dma_start3A_17, %dma_start3A_18] : memref<4x128xi32, #tpu.memory_space<vmem>> -> memref<1x128xi32, #tpu.memory_space<vmem>>
    %dma_start3A_20 = tpu.memref_squeeze %dma_start3A_19 : memref<1x128xi32, #tpu.memory_space<vmem>> -> memref<128xi32, #tpu.memory_space<vmem>>
    %dma_start3A_21 = arith.constant 0 : i32
    %dma_start3A_22 = arith.constant 0 : i32
    %dma_start3A_23 = tpu.memref_slice %arg2[%dma_start3A_21, %dma_start3A_22] : memref<8192x256xf32, #tpu.memory_space<hbm>> -> memref<8192x256xf32, #tpu.memory_space<hbm>>
    tpu.enqueue_indirect_dma source(%dma_start3A_23 : memref<8192x256xf32, #tpu.memory_space<hbm>>) target(%arg7 : memref<128x256xf32, #tpu.memory_space<vmem>>) offsets(%dma_start3A_20 : memref<128xi32, #tpu.memory_space<vmem>>) semaphore(%arg9 : memref<!tpu.dma_semaphore, #tpu.memory_space<semaphore_mem>>)
    %add3A_24 = arith.constant 0 : i32
    %add3A_25 = arith.addi %mul3A_2, %add3A_24 : i32
    "tpu.region"() ({
      %run_scoped3A = tpu.sem_alloc : memref<!tpu.dma_semaphore, #tpu.memory_space<semaphore_mem>>
      %dma_start3A_67 = arith.constant 0 : i32
      %dma_start3A_68 = tpu.memref_slice %arg4[%add3A_25, %dma_start3A_67] : memref<16384x256xf32, #tpu.memory_space<hbm>> -> memref<128x256xf32, #tpu.memory_space<hbm>>
      %dma_start3A_69 = arith.constant 0 : i32
      %dma_start3A_70 = tpu.memref_slice %arg4[%add3A_25, %dma_start3A_69] : memref<16384x256xf32, #tpu.memory_space<hbm>> -> memref<128x256xf32, #tpu.memory_space<hbm>>
      tpu.enqueue_dma source(%arg6 : memref<128x256xf32, #tpu.memory_space<vmem>>) target(%dma_start3A_70 : memref<128x256xf32, #tpu.memory_space<hbm>>) target_semaphore(%run_scoped3A : memref<!tpu.dma_semaphore, #tpu.memory_space<semaphore_mem>>)
      %dma_wait3A_71 = arith.constant 0 : i32
      %dma_wait3A_72 = tpu.memref_slice %arg4[%add3A_25, %dma_wait3A_71] : memref<16384x256xf32, #tpu.memory_space<hbm>> -> memref<128x256xf32, #tpu.memory_space<hbm>>
      %dma_wait3A_73 = arith.constant 0 : i32
      %dma_wait3A_74 = tpu.memref_slice %arg4[%add3A_25, %dma_wait3A_73] : memref<16384x256xf32, #tpu.memory_space<hbm>> -> memref<128x256xf32, #tpu.memory_space<hbm>>
      tpu.wait_dma2 semaphore(%run_scoped3A : memref<!tpu.dma_semaphore, #tpu.memory_space<semaphore_mem>>) src(%arg6 : memref<128x256xf32, #tpu.memory_space<vmem>>) dst(%dma_wait3A_74 : memref<128x256xf32, #tpu.memory_space<hbm>>)
      tpu.yield
    }) : () -> ()
    %dma_wait3A_26 = arith.constant 1 : i32
    %dma_wait3A_27 = arith.constant 0 : i32
    %dma_wait3A_28 = tpu.memref_slice %arg5[%dma_wait3A_26, %dma_wait3A_27] : memref<4x128xi32, #tpu.memory_space<vmem>> -> memref<1x128xi32, #tpu.memory_space<vmem>>
    %dma_wait3A_29 = tpu.memref_squeeze %dma_wait3A_28 : memref<1x128xi32, #tpu.memory_space<vmem>> -> memref<128xi32, #tpu.memory_space<vmem>>
    %dma_wait3A_30 = arith.constant 0 : i32
    %dma_wait3A_31 = arith.constant 0 : i32
    %dma_wait3A_32 = tpu.memref_slice %arg2[%dma_wait3A_30, %dma_wait3A_31] : memref<8192x256xf32, #tpu.memory_space<hbm>> -> memref<8192x256xf32, #tpu.memory_space<hbm>>
    tpu.wait_indirect_dma semaphore(%arg9 : memref<!tpu.dma_semaphore, #tpu.memory_space<semaphore_mem>>) src(%dma_wait3A_32 : memref<8192x256xf32, #tpu.memory_space<hbm>>) dst(%arg7 : memref<128x256xf32, #tpu.memory_space<vmem>>)
    %dma_start3A_33 = arith.constant 2 : i32
    %dma_start3A_34 = arith.constant 0 : i32
    %dma_start3A_35 = tpu.memref_slice %arg5[%dma_start3A_33, %dma_start3A_34] : memref<4x128xi32, #tpu.memory_space<vmem>> -> memref<1x128xi32, #tpu.memory_space<vmem>>
    %dma_start3A_36 = tpu.memref_squeeze %dma_start3A_35 : memref<1x128xi32, #tpu.memory_space<vmem>> -> memref<128xi32, #tpu.memory_space<vmem>>
    %dma_start3A_37 = arith.constant 0 : i32
    %dma_start3A_38 = arith.constant 0 : i32
    %dma_start3A_39 = tpu.memref_slice %arg2[%dma_start3A_37, %dma_start3A_38] : memref<8192x256xf32, #tpu.memory_space<hbm>> -> memref<8192x256xf32, #tpu.memory_space<hbm>>
    tpu.enqueue_indirect_dma source(%dma_start3A_39 : memref<8192x256xf32, #tpu.memory_space<hbm>>) target(%arg6 : memref<128x256xf32, #tpu.memory_space<vmem>>) offsets(%dma_start3A_36 : memref<128xi32, #tpu.memory_space<vmem>>) semaphore(%arg8 : memref<!tpu.dma_semaphore, #tpu.memory_space<semaphore_mem>>)
    %add3A_40 = arith.constant 128 : i32
    %add3A_41 = arith.addi %mul3A_2, %add3A_40 : i32
    "tpu.region"() ({
      %run_scoped3A = tpu.sem_alloc : memref<!tpu.dma_semaphore, #tpu.memory_space<semaphore_mem>>
      %dma_start3A_67 = arith.constant 0 : i32
      %dma_start3A_68 = tpu.memref_slice %arg4[%add3A_41, %dma_start3A_67] : memref<16384x256xf32, #tpu.memory_space<hbm>> -> memref<128x256xf32, #tpu.memory_space<hbm>>
      %dma_start3A_69 = arith.constant 0 : i32
      %dma_start3A_70 = tpu.memref_slice %arg4[%add3A_41, %dma_start3A_69] : memref<16384x256xf32, #tpu.memory_space<hbm>> -> memref<128x256xf32, #tpu.memory_space<hbm>>
      tpu.enqueue_dma source(%arg7 : memref<128x256xf32, #tpu.memory_space<vmem>>) target(%dma_start3A_70 : memref<128x256xf32, #tpu.memory_space<hbm>>) target_semaphore(%run_scoped3A : memref<!tpu.dma_semaphore, #tpu.memory_space<semaphore_mem>>)
      %dma_wait3A_71 = arith.constant 0 : i32
      %dma_wait3A_72 = tpu.memref_slice %arg4[%add3A_41, %dma_wait3A_71] : memref<16384x256xf32, #tpu.memory_space<hbm>> -> memref<128x256xf32, #tpu.memory_space<hbm>>
      %dma_wait3A_73 = arith.constant 0 : i32
      %dma_wait3A_74 = tpu.memref_slice %arg4[%add3A_41, %dma_wait3A_73] : memref<16384x256xf32, #tpu.memory_space<hbm>> -> memref<128x256xf32, #tpu.memory_space<hbm>>
      tpu.wait_dma2 semaphore(%run_scoped3A : memref<!tpu.dma_semaphore, #tpu.memory_space<semaphore_mem>>) src(%arg7 : memref<128x256xf32, #tpu.memory_space<vmem>>) dst(%dma_wait3A_74 : memref<128x256xf32, #tpu.memory_space<hbm>>)
      tpu.yield
    }) : () -> ()
    %dma_wait3A_42 = arith.constant 2 : i32
    %dma_wait3A_43 = arith.constant 0 : i32
    %dma_wait3A_44 = tpu.memref_slice %arg5[%dma_wait3A_42, %dma_wait3A_43] : memref<4x128xi32, #tpu.memory_space<vmem>> -> memref<1x128xi32, #tpu.memory_space<vmem>>
    %dma_wait3A_45 = tpu.memref_squeeze %dma_wait3A_44 : memref<1x128xi32, #tpu.memory_space<vmem>> -> memref<128xi32, #tpu.memory_space<vmem>>
    %dma_wait3A_46 = arith.constant 0 : i32
    %dma_wait3A_47 = arith.constant 0 : i32
    %dma_wait3A_48 = tpu.memref_slice %arg2[%dma_wait3A_46, %dma_wait3A_47] : memref<8192x256xf32, #tpu.memory_space<hbm>> -> memref<8192x256xf32, #tpu.memory_space<hbm>>
    tpu.wait_indirect_dma semaphore(%arg8 : memref<!tpu.dma_semaphore, #tpu.memory_space<semaphore_mem>>) src(%dma_wait3A_48 : memref<8192x256xf32, #tpu.memory_space<hbm>>) dst(%arg6 : memref<128x256xf32, #tpu.memory_space<vmem>>)
    %dma_start3A_49 = arith.constant 3 : i32
    %dma_start3A_50 = arith.constant 0 : i32
    %dma_start3A_51 = tpu.memref_slice %arg5[%dma_start3A_49, %dma_start3A_50] : memref<4x128xi32, #tpu.memory_space<vmem>> -> memref<1x128xi32, #tpu.memory_space<vmem>>
    %dma_start3A_52 = tpu.memref_squeeze %dma_start3A_51 : memref<1x128xi32, #tpu.memory_space<vmem>> -> memref<128xi32, #tpu.memory_space<vmem>>
    %dma_start3A_53 = arith.constant 0 : i32
    %dma_start3A_54 = arith.constant 0 : i32
    %dma_start3A_55 = tpu.memref_slice %arg2[%dma_start3A_53, %dma_start3A_54] : memref<8192x256xf32, #tpu.memory_space<hbm>> -> memref<8192x256xf32, #tpu.memory_space<hbm>>
    tpu.enqueue_indirect_dma source(%dma_start3A_55 : memref<8192x256xf32, #tpu.memory_space<hbm>>) target(%arg7 : memref<128x256xf32, #tpu.memory_space<vmem>>) offsets(%dma_start3A_52 : memref<128xi32, #tpu.memory_space<vmem>>) semaphore(%arg9 : memref<!tpu.dma_semaphore, #tpu.memory_space<semaphore_mem>>)
    %add3A_56 = arith.constant 256 : i32
    %add3A_57 = arith.addi %mul3A_2, %add3A_56 : i32
    "tpu.region"() ({
      %run_scoped3A = tpu.sem_alloc : memref<!tpu.dma_semaphore, #tpu.memory_space<semaphore_mem>>
      %dma_start3A_67 = arith.constant 0 : i32
      %dma_start3A_68 = tpu.memref_slice %arg4[%add3A_57, %dma_start3A_67] : memref<16384x256xf32, #tpu.memory_space<hbm>> -> memref<128x256xf32, #tpu.memory_space<hbm>>
      %dma_start3A_69 = arith.constant 0 : i32
      %dma_start3A_70 = tpu.memref_slice %arg4[%add3A_57, %dma_start3A_69] : memref<16384x256xf32, #tpu.memory_space<hbm>> -> memref<128x256xf32, #tpu.memory_space<hbm>>
      tpu.enqueue_dma source(%arg6 : memref<128x256xf32, #tpu.memory_space<vmem>>) target(%dma_start3A_70 : memref<128x256xf32, #tpu.memory_space<hbm>>) target_semaphore(%run_scoped3A : memref<!tpu.dma_semaphore, #tpu.memory_space<semaphore_mem>>)
      %dma_wait3A_71 = arith.constant 0 : i32
      %dma_wait3A_72 = tpu.memref_slice %arg4[%add3A_57, %dma_wait3A_71] : memref<16384x256xf32, #tpu.memory_space<hbm>> -> memref<128x256xf32, #tpu.memory_space<hbm>>
      %dma_wait3A_73 = arith.constant 0 : i32
      %dma_wait3A_74 = tpu.memref_slice %arg4[%add3A_57, %dma_wait3A_73] : memref<16384x256xf32, #tpu.memory_space<hbm>> -> memref<128x256xf32, #tpu.memory_space<hbm>>
      tpu.wait_dma2 semaphore(%run_scoped3A : memref<!tpu.dma_semaphore, #tpu.memory_space<semaphore_mem>>) src(%arg6 : memref<128x256xf32, #tpu.memory_space<vmem>>) dst(%dma_wait3A_74 : memref<128x256xf32, #tpu.memory_space<hbm>>)
      tpu.yield
    }) : () -> ()
    %dma_wait3A_58 = arith.constant 3 : i32
    %dma_wait3A_59 = arith.constant 0 : i32
    %dma_wait3A_60 = tpu.memref_slice %arg5[%dma_wait3A_58, %dma_wait3A_59] : memref<4x128xi32, #tpu.memory_space<vmem>> -> memref<1x128xi32, #tpu.memory_space<vmem>>
    %dma_wait3A_61 = tpu.memref_squeeze %dma_wait3A_60 : memref<1x128xi32, #tpu.memory_space<vmem>> -> memref<128xi32, #tpu.memory_space<vmem>>
    %dma_wait3A_62 = arith.constant 0 : i32
    %dma_wait3A_63 = arith.constant 0 : i32
    %dma_wait3A_64 = tpu.memref_slice %arg2[%dma_wait3A_62, %dma_wait3A_63] : memref<8192x256xf32, #tpu.memory_space<hbm>> -> memref<8192x256xf32, #tpu.memory_space<hbm>>
    tpu.wait_indirect_dma semaphore(%arg9 : memref<!tpu.dma_semaphore, #tpu.memory_space<semaphore_mem>>) src(%dma_wait3A_64 : memref<8192x256xf32, #tpu.memory_space<hbm>>) dst(%arg7 : memref<128x256xf32, #tpu.memory_space<vmem>>)
    %add3A_65 = arith.constant 384 : i32
    %add3A_66 = arith.addi %mul3A_2, %add3A_65 : i32
    "tpu.region"() ({
      %run_scoped3A = tpu.sem_alloc : memref<!tpu.dma_semaphore, #tpu.memory_space<semaphore_mem>>
      %dma_start3A_67 = arith.constant 0 : i32
      %dma_start3A_68 = tpu.memref_slice %arg4[%add3A_66, %dma_start3A_67] : memref<16384x256xf32, #tpu.memory_space<hbm>> -> memref<128x256xf32, #tpu.memory_space<hbm>>
      %dma_start3A_69 = arith.constant 0 : i32
      %dma_start3A_70 = tpu.memref_slice %arg4[%add3A_66, %dma_start3A_69] : memref<16384x256xf32, #tpu.memory_space<hbm>> -> memref<128x256xf32, #tpu.memory_space<hbm>>
      tpu.enqueue_dma source(%arg7 : memref<128x256xf32, #tpu.memory_space<vmem>>) target(%dma_start3A_70 : memref<128x256xf32, #tpu.memory_space<hbm>>) target_semaphore(%run_scoped3A : memref<!tpu.dma_semaphore, #tpu.memory_space<semaphore_mem>>)
      %dma_wait3A_71 = arith.constant 0 : i32
      %dma_wait3A_72 = tpu.memref_slice %arg4[%add3A_66, %dma_wait3A_71] : memref<16384x256xf32, #tpu.memory_space<hbm>> -> memref<128x256xf32, #tpu.memory_space<hbm>>
      %dma_wait3A_73 = arith.constant 0 : i32
      %dma_wait3A_74 = tpu.memref_slice %arg4[%add3A_66, %dma_wait3A_73] : memref<16384x256xf32, #tpu.memory_space<hbm>> -> memref<128x256xf32, #tpu.memory_space<hbm>>
      tpu.wait_dma2 semaphore(%run_scoped3A : memref<!tpu.dma_semaphore, #tpu.memory_space<semaphore_mem>>) src(%arg7 : memref<128x256xf32, #tpu.memory_space<vmem>>) dst(%dma_wait3A_74 : memref<128x256xf32, #tpu.memory_space<hbm>>)
      tpu.yield
    }) : () -> ()
    return
  }
}

module attributes {stable_mosaic.version = 14 : i64} {
  func.func @_stats_body(%arg0: i32, %arg1: memref<2048x256xf32, #tpu.memory_space<vmem>>, %arg2: memref<2048x256xf32, #tpu.memory_space<vmem>>, %arg3: memref<1x1x2048xi32, #tpu.memory_space<vmem>>, %arg4: memref<2048x256xf32, #tpu.memory_space<vmem>>, %arg5: memref<1x1xf32, #tpu.memory_space<smem>>, %arg6: memref<1x1xf32, #tpu.memory_space<smem>>, %arg7: memref<1xf32, #tpu.memory_space<smem>>, %arg8: memref<64x128xf32, #tpu.memory_space<vmem>>) attributes {dimension_semantics = [#tpu.dimension_semantics<arbitrary>], iteration_bounds = array<i64: 8>, scalar_prefetch = 0 : i64, scratch_operands = 2 : i64, tpu.core_type = #tpu.core_type<tc>, window_params = [{transform_indices = @transform_0, window_bounds = array<i64: 2048, 256>}, {transform_indices = @transform_1, window_bounds = array<i64: 2048, 256>}, {transform_indices = @transform_2, window_bounds = array<i64: 1, 1, 2048>}, {transform_indices = @transform_3, window_bounds = array<i64: 2048, 256>}, {transform_indices = @transform_4, window_bounds = array<i64: 1, 1>}, {transform_indices = @transform_5, window_bounds = array<i64: 1, 1>}]} {
    %eq3A = arith.constant 0 : i32
    %eq3A_0 = arith.cmpi eq, %arg0, %eq3A : i32
    %convert_element_type3A = arith.extui %eq3A_0 : i1 to i32
    %cond3A = arith.constant 0 : i32
    %cond3A_1 = arith.cmpi ne, %convert_element_type3A, %cond3A : i32
    scf.if %cond3A_1 {
      %swap3A_50 = arith.constant 0.000000e+00 : f32
      %swap3A_51 = arith.constant 0 : index
      %swap3A_52 = memref.load %arg7[%swap3A_51] : memref<1xf32, #tpu.memory_space<smem>>
      memref.store %swap3A_50, %arg7[%swap3A_51] : memref<1xf32, #tpu.memory_space<smem>>
      %broadcast_in_dim3A_53 = arith.constant 0.000000e+00 : f32
      %broadcast_in_dim3A_54 = vector.broadcast %broadcast_in_dim3A_53 : f32 to vector<64x128xf32>
      %swap3A_55 = arith.constant 0 : index
      %swap3A_56 = arith.constant 0 : index
      %swap3A_57 = vector.load %arg8[%swap3A_55, %swap3A_56] : memref<64x128xf32, #tpu.memory_space<vmem>>, vector<64x128xf32>
      tpu.vector_store %arg8[%swap3A_55, %swap3A_56], %broadcast_in_dim3A_54 {strides = array<i32>} : memref<64x128xf32, #tpu.memory_space<vmem>>, vector<64x128xf32>,
    } else {
    }
    %get3A = arith.constant 0 : index
    %get3A_2 = arith.constant 0 : index
    %get3A_3 = vector.load %arg2[%get3A, %get3A_2] : memref<2048x256xf32, #tpu.memory_space<vmem>>, vector<2048x256xf32>
    %get3A_4 = arith.constant 0 : index
    %get3A_5 = arith.constant 0 : index
    %get3A_6 = vector.load %arg1[%get3A_4, %get3A_5] : memref<2048x256xf32, #tpu.memory_space<vmem>>, vector<2048x256xf32>
    %sub3A = arith.subf %get3A_6, %get3A_3 : vector<2048x256xf32>
    %add3A = arith.addf %get3A_3, %sub3A : vector<2048x256xf32>
    %swap3A = arith.constant 0 : index
    %swap3A_7 = arith.constant 0 : index
    %swap3A_8 = vector.load %arg4[%swap3A, %swap3A_7] : memref<2048x256xf32, #tpu.memory_space<vmem>>, vector<2048x256xf32>
    tpu.vector_store %arg4[%swap3A, %swap3A_7], %add3A {strides = array<i32>} : memref<2048x256xf32, #tpu.memory_space<vmem>>, vector<2048x256xf32>,
    %get3A_9 = arith.constant 0 : index
    %get3A_10 = memref.load %arg7[%get3A_9] : memref<1xf32, #tpu.memory_space<smem>>
    %mul3A = arith.mulf %sub3A, %sub3A : vector<2048x256xf32>
    %reduce_sum3A = vector.shape_cast %mul3A : vector<2048x256xf32> to vector<1x2048x256xf32>
    %reduce_sum3A_11 = arith.constant dense<0.000000e+00> : vector<1xf32>
    %reduce_sum3A_12 = vector.multi_reduction <add>, %reduce_sum3A, %reduce_sum3A_11 [1, 2] : vector<1x2048x256xf32> to vector<1xf32>
    %reduce_sum3A_13 = vector.shape_cast %reduce_sum3A_12 : vector<1xf32> to vector<1x1x1xf32>
    %reduce_sum3A_14 = vector.extract %reduce_sum3A_13[0, 0, 0] : f32 from vector<1x1x1xf32>
    %add3A_15 = arith.addf %get3A_10, %reduce_sum3A_14 : f32
    %swap3A_16 = arith.constant 0 : index
    %swap3A_17 = memref.load %arg7[%swap3A_16] : memref<1xf32, #tpu.memory_space<smem>>
    memref.store %add3A_15, %arg7[%swap3A_16] : memref<1xf32, #tpu.memory_space<smem>>
    %get3A_18 = arith.constant 0 : index
    %get3A_19 = arith.constant 0 : index
    %get3A_20 = arith.constant 0 : index
    %get3A_21 = vector.load %arg3[%get3A_18, %get3A_19, %get3A_20] : memref<1x1x2048xi32, #tpu.memory_space<vmem>>, vector<1x1x2048xi32>
    %get3A_22 = vector.shape_cast %get3A_21 : vector<1x1x2048xi32> to vector<2048xi32>
    %shift_right_arithmetic3A = arith.constant 7 : i32
    %shift_right_arithmetic3A_23 = vector.broadcast %shift_right_arithmetic3A : i32 to vector<2048xi32>
    %shift_right_arithmetic3A_24 = arith.shrsi %get3A_22, %shift_right_arithmetic3A_23 : vector<2048xi32>
    %and3A = arith.constant 127 : i32
    %and3A_25 = vector.broadcast %and3A : i32 to vector<2048xi32>
    %and3A_26 = arith.andi %get3A_22, %and3A_25 : vector<2048xi32>
    %iota3A = tpu.iota {dimensions = array<i32: 0>} : vector<64x2048xi32>
    %broadcast_in_dim3A = vector.shape_cast %shift_right_arithmetic3A_24 : vector<2048xi32> to vector<1x2048xi32>
    %eq3A_27 = vector.broadcast %broadcast_in_dim3A : vector<1x2048xi32> to vector<64x2048xi32>
    %eq3A_28 = arith.cmpi eq, %iota3A, %eq3A_27 : vector<64x2048xi32>
    %convert_element_type3A_29 = arith.extui %eq3A_28 : vector<64x2048xi1> to vector<64x2048xi32>
    %convert_element_type3A_30 = arith.sitofp %convert_element_type3A_29 : vector<64x2048xi32> to vector<64x2048xf32>
    %broadcast_in_dim3A_31 = vector.shape_cast %and3A_26 : vector<2048xi32> to vector<2048x1xi32>
    %iota3A_32 = tpu.iota {dimensions = array<i32: 1>} : vector<2048x128xi32>
    %eq3A_33 = vector.broadcast %broadcast_in_dim3A_31 : vector<2048x1xi32> to vector<2048x128xi32>
    %eq3A_34 = arith.cmpi eq, %eq3A_33, %iota3A_32 : vector<2048x128xi32>
    %convert_element_type3A_35 = arith.extui %eq3A_34 : vector<2048x128xi1> to vector<2048x128xi32>
    %convert_element_type3A_36 = arith.sitofp %convert_element_type3A_35 : vector<2048x128xi32> to vector<2048x128xf32>
    %get3A_37 = arith.constant 0 : index
    %get3A_38 = arith.constant 0 : index
    %get3A_39 = vector.load %arg8[%get3A_37, %get3A_38] : memref<64x128xf32, #tpu.memory_space<vmem>>, vector<64x128xf32>
    %dot_general3A = arith.constant dense<0.000000e+00> : vector<64x128xf32>
    %dot_general3A_40 = tpu.matmul %convert_element_type3A_30, %convert_element_type3A_36, %dot_general3A {dimension_numbers = #tpu.dot_dimension_numbers<[1], [0], [0], [1], [0, 0, 1, 1], [], []>, transpose_lhs_hint = false} : vector<64x2048xf32>, vector<2048x128xf32>, vector<64x128xf32> -> vector<64x128xf32>
    %add3A_41 = arith.addf %get3A_39, %dot_general3A_40 : vector<64x128xf32>
    %swap3A_42 = arith.constant 0 : index
    %swap3A_43 = arith.constant 0 : index
    %swap3A_44 = vector.load %arg8[%swap3A_42, %swap3A_43] : memref<64x128xf32, #tpu.memory_space<vmem>>, vector<64x128xf32>
    tpu.vector_store %arg8[%swap3A_42, %swap3A_43], %add3A_41 {strides = array<i32>} : memref<64x128xf32, #tpu.memory_space<vmem>>, vector<64x128xf32>,
    %eq3A_45 = arith.constant 7 : i32
    %eq3A_46 = arith.cmpi eq, %arg0, %eq3A_45 : i32
    %convert_element_type3A_47 = arith.extui %eq3A_46 : i1 to i32
    %cond3A_48 = arith.constant 0 : i32
    %cond3A_49 = arith.cmpi ne, %convert_element_type3A_47, %cond3A_48 : i32
    scf.if %cond3A_49 {
      %get3A_50 = arith.constant 0 : index
      %get3A_51 = memref.load %arg7[%get3A_50] : memref<1xf32, #tpu.memory_space<smem>>
      %mul3A_52 = arith.constant 2.98023224E-7 : f32
      %mul3A_53 = arith.mulf %get3A_51, %mul3A_52 : f32
      %swap3A_54 = arith.constant 0 : index
      %swap3A_55 = arith.constant 0 : index
      %swap3A_56 = memref.load %arg5[%swap3A_54, %swap3A_55] : memref<1x1xf32, #tpu.memory_space<smem>>
      memref.store %mul3A_53, %arg5[%swap3A_54, %swap3A_55] : memref<1x1xf32, #tpu.memory_space<smem>>
      %get3A_57 = arith.constant 0 : index
      %get3A_58 = arith.constant 0 : index
      %get3A_59 = vector.load %arg8[%get3A_57, %get3A_58] : memref<64x128xf32, #tpu.memory_space<vmem>>, vector<64x128xf32>
      %mul3A_60 = arith.constant 6.10351563E-5 : f32
      %mul3A_61 = vector.broadcast %mul3A_60 : f32 to vector<64x128xf32>
      %mul3A_62 = arith.mulf %get3A_59, %mul3A_61 : vector<64x128xf32>
      %add3A_63 = arith.constant 1.000000e-10 : f32
      %add3A_64 = vector.broadcast %add3A_63 : f32 to vector<64x128xf32>
      %add3A_65 = arith.addf %mul3A_62, %add3A_64 : vector<64x128xf32>
      %log3A = math.log %add3A_65 : vector<64x128xf32>
      %mul3A_66 = arith.mulf %mul3A_62, %log3A : vector<64x128xf32>
      %reduce_sum3A_67 = vector.shape_cast %mul3A_66 : vector<64x128xf32> to vector<1x64x128xf32>
      %reduce_sum3A_68 = arith.constant dense<0.000000e+00> : vector<1xf32>
      %reduce_sum3A_69 = vector.multi_reduction <add>, %reduce_sum3A_67, %reduce_sum3A_68 [1, 2] : vector<1x64x128xf32> to vector<1xf32>
      %reduce_sum3A_70 = vector.shape_cast %reduce_sum3A_69 : vector<1xf32> to vector<1x1x1xf32>
      %reduce_sum3A_71 = vector.extract %reduce_sum3A_70[0, 0, 0] : f32 from vector<1x1x1xf32>
      %neg3A = arith.constant 0.000000e+00 : f32
      %neg3A_72 = arith.subf %neg3A, %reduce_sum3A_71 : f32
      %exp3A = math.exp %neg3A_72 : f32
      %swap3A_73 = arith.constant 0 : index
      %swap3A_74 = arith.constant 0 : index
      %swap3A_75 = memref.load %arg6[%swap3A_73, %swap3A_74] : memref<1x1xf32, #tpu.memory_space<smem>>
      memref.store %exp3A, %arg6[%swap3A_73, %swap3A_74] : memref<1x1xf32, #tpu.memory_space<smem>>
    } else {
    }
    return
  }
  func.func @transform_0(%arg0: i32) -> (i32, i32) {
    %c0_i32 = arith.constant 0 : i32
    %c0_i32_0 = arith.constant 0 : i32
    return %arg0, %c0_i32 : i32, i32
  }
  func.func @transform_1(%arg0: i32) -> (i32, i32) {
    %c0_i32 = arith.constant 0 : i32
    %c0_i32_0 = arith.constant 0 : i32
    return %arg0, %c0_i32 : i32, i32
  }
  func.func @transform_2(%arg0: i32) -> (i32, i32, i32) {
    %c0_i32 = arith.constant 0 : i32
    %c0_i32_0 = arith.constant 0 : i32
    %c0_i32_1 = arith.constant 0 : i32
    return %arg0, %c0_i32, %c0_i32_0 : i32, i32, i32
  }
  func.func @transform_3(%arg0: i32) -> (i32, i32) {
    %c0_i32 = arith.constant 0 : i32
    %c0_i32_0 = arith.constant 0 : i32
    return %arg0, %c0_i32 : i32, i32
  }
  func.func @transform_4(%arg0: i32) -> (i32, i32) {
    %c0_i32 = arith.constant 0 : i32
    %c0_i32_0 = arith.constant 0 : i32
    %c0_i32_1 = arith.constant 0 : i32
    return %c0_i32, %c0_i32_0 : i32, i32
  }
  func.func @transform_5(%arg0: i32) -> (i32, i32) {
    %c0_i32 = arith.constant 0 : i32
    %c0_i32_0 = arith.constant 0 : i32
    %c0_i32_1 = arith.constant 0 : i32
    return %c0_i32, %c0_i32_0 : i32, i32
  }
}

module attributes {stable_mosaic.version = 14 : i64} {
  func.func @_top1_body(%arg0: i32, %arg1: memref<512x256xf32, #tpu.memory_space<vmem>>, %arg2: memref<8192x256xbf16, #tpu.memory_space<vmem>>, %arg3: memref<1x1x512xi32, #tpu.memory_space<vmem>>) attributes {dimension_semantics = [#tpu.dimension_semantics<arbitrary>], iteration_bounds = array<i64: 32>, scalar_prefetch = 0 : i64, scratch_operands = 0 : i64, tpu.core_type = #tpu.core_type<tc>, window_params = [{transform_indices = @transform_0, window_bounds = array<i64: 512, 256>}, {pipeline_mode = #tpu.pipeline_mode<synchronous>, transform_indices = @transform_1, window_bounds = array<i64: 8192, 256>}, {transform_indices = @transform_2, window_bounds = array<i64: 1, 1, 512>}]} {
    %get3A = arith.constant 0 : index
    %get3A_0 = arith.constant 0 : index
    %get3A_1 = vector.load %arg1[%get3A, %get3A_0] : memref<512x256xf32, #tpu.memory_space<vmem>>, vector<512x256xf32>
    %mul3A = arith.mulf %get3A_1, %get3A_1 : vector<512x256xf32>
    %reduce_sum3A = arith.constant dense<0.000000e+00> : vector<512xf32>
    %reduce_sum3A_2 = vector.multi_reduction <add>, %mul3A, %reduce_sum3A [1] : vector<512x256xf32> to vector<512xf32>
    %broadcast_in_dim3A = vector.shape_cast %reduce_sum3A_2 : vector<512xf32> to vector<512x1xf32>
    %sqrt3A = math.sqrt %broadcast_in_dim3A : vector<512x1xf32>
    %max3A = arith.constant 9.99999996E-13 : f32
    %max3A_3 = vector.broadcast %max3A : f32 to vector<512x1xf32>
    %max3A_4 = arith.maximumf %sqrt3A, %max3A_3 : vector<512x1xf32>
    %div3A = vector.broadcast %max3A_4 : vector<512x1xf32> to vector<512x256xf32>
    %div3A_5 = arith.divf %get3A_1, %div3A : vector<512x256xf32>
    %convert_element_type3A = arith.truncf %div3A_5 : vector<512x256xf32> to vector<512x256xbf16>
    %broadcast_in_dim3A_6 = arith.constant 0xFF800000 : f32
    %broadcast_in_dim3A_7 = vector.broadcast %broadcast_in_dim3A_6 : f32 to vector<512xf32>
    %broadcast_in_dim3A_8 = arith.constant 0 : i32
    %broadcast_in_dim3A_9 = vector.broadcast %broadcast_in_dim3A_8 : i32 to vector<512xi32>
    %iota3A = tpu.iota {dimensions = array<i32: 1>} : vector<512x1024xi32>
    %get3A_10 = arith.constant 0 : index
    %get3A_11 = arith.constant 0 : index
    %get3A_12 = vector.load %arg2[%get3A_10, %get3A_11] : memref<8192x256xbf16, #tpu.memory_space<vmem>>, vector<1024x256xbf16>
    %dot_general3A = arith.constant dense<0.000000e+00> : vector<512x1024xf32>
    %dot_general3A_13 = tpu.matmul %convert_element_type3A, %get3A_12, %dot_general3A {dimension_numbers = #tpu.dot_dimension_numbers<[1], [1], [0], [0], [0, 0, 1, 0], [], []>, transpose_lhs_hint = false} : vector<512x256xbf16>, vector<1024x256xbf16>, vector<512x1024xf32> -> vector<512x1024xf32>
    %reduce_max3A = arith.constant dense<0xFF800000> : vector<512xf32>
    %reduce_max3A_14 = vector.multi_reduction <maximumf>, %dot_general3A_13, %reduce_max3A [1] : vector<512x1024xf32> to vector<512xf32>
    %broadcast_in_dim3A_15 = vector.shape_cast %reduce_max3A_14 : vector<512xf32> to vector<512x1xf32>
    %ge3A = vector.broadcast %broadcast_in_dim3A_15 : vector<512x1xf32> to vector<512x1024xf32>
    %ge3A_16 = arith.cmpf oge, %dot_general3A_13, %ge3A : vector<512x1024xf32>
    %jit3A = arith.constant -1 : i32
    %broadcast_in_dim3A_17 = vector.broadcast %jit3A : i32 to vector<512x1024xi32>
    %select_n3A = arith.select %ge3A_16, %iota3A, %broadcast_in_dim3A_17 : vector<512x1024xi1>, vector<512x1024xi32>
    %reduce_max3A_18 = arith.constant dense<-2147483648> : vector<512xi32>
    %reduce_max3A_19 = vector.multi_reduction <maxsi>, %select_n3A, %reduce_max3A_18 [1] : vector<512x1024xi32> to vector<512xi32>
    %ge3A_20 = arith.cmpf oge, %reduce_max3A_14, %broadcast_in_dim3A_7 : vector<512xf32>
    %add3A = arith.constant 0 : i32
    %add3A_21 = vector.broadcast %add3A : i32 to vector<512xi32>
    %add3A_22 = arith.addi %reduce_max3A_19, %add3A_21 : vector<512xi32>
    %select_n3A_23 = arith.select %ge3A_20, %add3A_22, %broadcast_in_dim3A_9 : vector<512xi1>, vector<512xi32>
    %select_n3A_24 = arith.select %ge3A_20, %reduce_max3A_14, %broadcast_in_dim3A_7 : vector<512xi1>, vector<512xf32>
    %get3A_25 = arith.constant 1024 : index
    %get3A_26 = arith.constant 0 : index
    %get3A_27 = vector.load %arg2[%get3A_25, %get3A_26] : memref<8192x256xbf16, #tpu.memory_space<vmem>>, vector<1024x256xbf16>
    %dot_general3A_28 = arith.constant dense<0.000000e+00> : vector<512x1024xf32>
    %dot_general3A_29 = tpu.matmul %convert_element_type3A, %get3A_27, %dot_general3A_28 {dimension_numbers = #tpu.dot_dimension_numbers<[1], [1], [0], [0], [0, 0, 1, 0], [], []>, transpose_lhs_hint = false} : vector<512x256xbf16>, vector<1024x256xbf16>, vector<512x1024xf32> -> vector<512x1024xf32>
    %reduce_max3A_30 = arith.constant dense<0xFF800000> : vector<512xf32>
    %reduce_max3A_31 = vector.multi_reduction <maximumf>, %dot_general3A_29, %reduce_max3A_30 [1] : vector<512x1024xf32> to vector<512xf32>
    %broadcast_in_dim3A_32 = vector.shape_cast %reduce_max3A_31 : vector<512xf32> to vector<512x1xf32>
    %ge3A_33 = vector.broadcast %broadcast_in_dim3A_32 : vector<512x1xf32> to vector<512x1024xf32>
    %ge3A_34 = arith.cmpf oge, %dot_general3A_29, %ge3A_33 : vector<512x1024xf32>
    %jit3A_35 = arith.constant -1 : i32
    %broadcast_in_dim3A_36 = vector.broadcast %jit3A_35 : i32 to vector<512x1024xi32>
    %select_n3A_37 = arith.select %ge3A_34, %iota3A, %broadcast_in_dim3A_36 : vector<512x1024xi1>, vector<512x1024xi32>
    %reduce_max3A_38 = arith.constant dense<-2147483648> : vector<512xi32>
    %reduce_max3A_39 = vector.multi_reduction <maxsi>, %select_n3A_37, %reduce_max3A_38 [1] : vector<512x1024xi32> to vector<512xi32>
    %ge3A_40 = arith.cmpf oge, %reduce_max3A_31, %select_n3A_24 : vector<512xf32>
    %add3A_41 = arith.constant 1024 : i32
    %add3A_42 = vector.broadcast %add3A_41 : i32 to vector<512xi32>
    %add3A_43 = arith.addi %reduce_max3A_39, %add3A_42 : vector<512xi32>
    %select_n3A_44 = arith.select %ge3A_40, %add3A_43, %select_n3A_23 : vector<512xi1>, vector<512xi32>
    %select_n3A_45 = arith.select %ge3A_40, %reduce_max3A_31, %select_n3A_24 : vector<512xi1>, vector<512xf32>
    %get3A_46 = arith.constant 2048 : index
    %get3A_47 = arith.constant 0 : index
    %get3A_48 = vector.load %arg2[%get3A_46, %get3A_47] : memref<8192x256xbf16, #tpu.memory_space<vmem>>, vector<1024x256xbf16>
    %dot_general3A_49 = arith.constant dense<0.000000e+00> : vector<512x1024xf32>
    %dot_general3A_50 = tpu.matmul %convert_element_type3A, %get3A_48, %dot_general3A_49 {dimension_numbers = #tpu.dot_dimension_numbers<[1], [1], [0], [0], [0, 0, 1, 0], [], []>, transpose_lhs_hint = false} : vector<512x256xbf16>, vector<1024x256xbf16>, vector<512x1024xf32> -> vector<512x1024xf32>
    %reduce_max3A_51 = arith.constant dense<0xFF800000> : vector<512xf32>
    %reduce_max3A_52 = vector.multi_reduction <maximumf>, %dot_general3A_50, %reduce_max3A_51 [1] : vector<512x1024xf32> to vector<512xf32>
    %broadcast_in_dim3A_53 = vector.shape_cast %reduce_max3A_52 : vector<512xf32> to vector<512x1xf32>
    %ge3A_54 = vector.broadcast %broadcast_in_dim3A_53 : vector<512x1xf32> to vector<512x1024xf32>
    %ge3A_55 = arith.cmpf oge, %dot_general3A_50, %ge3A_54 : vector<512x1024xf32>
    %jit3A_56 = arith.constant -1 : i32
    %broadcast_in_dim3A_57 = vector.broadcast %jit3A_56 : i32 to vector<512x1024xi32>
    %select_n3A_58 = arith.select %ge3A_55, %iota3A, %broadcast_in_dim3A_57 : vector<512x1024xi1>, vector<512x1024xi32>
    %reduce_max3A_59 = arith.constant dense<-2147483648> : vector<512xi32>
    %reduce_max3A_60 = vector.multi_reduction <maxsi>, %select_n3A_58, %reduce_max3A_59 [1] : vector<512x1024xi32> to vector<512xi32>
    %ge3A_61 = arith.cmpf oge, %reduce_max3A_52, %select_n3A_45 : vector<512xf32>
    %add3A_62 = arith.constant 2048 : i32
    %add3A_63 = vector.broadcast %add3A_62 : i32 to vector<512xi32>
    %add3A_64 = arith.addi %reduce_max3A_60, %add3A_63 : vector<512xi32>
    %select_n3A_65 = arith.select %ge3A_61, %add3A_64, %select_n3A_44 : vector<512xi1>, vector<512xi32>
    %select_n3A_66 = arith.select %ge3A_61, %reduce_max3A_52, %select_n3A_45 : vector<512xi1>, vector<512xf32>
    %get3A_67 = arith.constant 3072 : index
    %get3A_68 = arith.constant 0 : index
    %get3A_69 = vector.load %arg2[%get3A_67, %get3A_68] : memref<8192x256xbf16, #tpu.memory_space<vmem>>, vector<1024x256xbf16>
    %dot_general3A_70 = arith.constant dense<0.000000e+00> : vector<512x1024xf32>
    %dot_general3A_71 = tpu.matmul %convert_element_type3A, %get3A_69, %dot_general3A_70 {dimension_numbers = #tpu.dot_dimension_numbers<[1], [1], [0], [0], [0, 0, 1, 0], [], []>, transpose_lhs_hint = false} : vector<512x256xbf16>, vector<1024x256xbf16>, vector<512x1024xf32> -> vector<512x1024xf32>
    %reduce_max3A_72 = arith.constant dense<0xFF800000> : vector<512xf32>
    %reduce_max3A_73 = vector.multi_reduction <maximumf>, %dot_general3A_71, %reduce_max3A_72 [1] : vector<512x1024xf32> to vector<512xf32>
    %broadcast_in_dim3A_74 = vector.shape_cast %reduce_max3A_73 : vector<512xf32> to vector<512x1xf32>
    %ge3A_75 = vector.broadcast %broadcast_in_dim3A_74 : vector<512x1xf32> to vector<512x1024xf32>
    %ge3A_76 = arith.cmpf oge, %dot_general3A_71, %ge3A_75 : vector<512x1024xf32>
    %jit3A_77 = arith.constant -1 : i32
    %broadcast_in_dim3A_78 = vector.broadcast %jit3A_77 : i32 to vector<512x1024xi32>
    %select_n3A_79 = arith.select %ge3A_76, %iota3A, %broadcast_in_dim3A_78 : vector<512x1024xi1>, vector<512x1024xi32>
    %reduce_max3A_80 = arith.constant dense<-2147483648> : vector<512xi32>
    %reduce_max3A_81 = vector.multi_reduction <maxsi>, %select_n3A_79, %reduce_max3A_80 [1] : vector<512x1024xi32> to vector<512xi32>
    %ge3A_82 = arith.cmpf oge, %reduce_max3A_73, %select_n3A_66 : vector<512xf32>
    %add3A_83 = arith.constant 3072 : i32
    %add3A_84 = vector.broadcast %add3A_83 : i32 to vector<512xi32>
    %add3A_85 = arith.addi %reduce_max3A_81, %add3A_84 : vector<512xi32>
    %select_n3A_86 = arith.select %ge3A_82, %add3A_85, %select_n3A_65 : vector<512xi1>, vector<512xi32>
    %select_n3A_87 = arith.select %ge3A_82, %reduce_max3A_73, %select_n3A_66 : vector<512xi1>, vector<512xf32>
    %get3A_88 = arith.constant 4096 : index
    %get3A_89 = arith.constant 0 : index
    %get3A_90 = vector.load %arg2[%get3A_88, %get3A_89] : memref<8192x256xbf16, #tpu.memory_space<vmem>>, vector<1024x256xbf16>
    %dot_general3A_91 = arith.constant dense<0.000000e+00> : vector<512x1024xf32>
    %dot_general3A_92 = tpu.matmul %convert_element_type3A, %get3A_90, %dot_general3A_91 {dimension_numbers = #tpu.dot_dimension_numbers<[1], [1], [0], [0], [0, 0, 1, 0], [], []>, transpose_lhs_hint = false} : vector<512x256xbf16>, vector<1024x256xbf16>, vector<512x1024xf32> -> vector<512x1024xf32>
    %reduce_max3A_93 = arith.constant dense<0xFF800000> : vector<512xf32>
    %reduce_max3A_94 = vector.multi_reduction <maximumf>, %dot_general3A_92, %reduce_max3A_93 [1] : vector<512x1024xf32> to vector<512xf32>
    %broadcast_in_dim3A_95 = vector.shape_cast %reduce_max3A_94 : vector<512xf32> to vector<512x1xf32>
    %ge3A_96 = vector.broadcast %broadcast_in_dim3A_95 : vector<512x1xf32> to vector<512x1024xf32>
    %ge3A_97 = arith.cmpf oge, %dot_general3A_92, %ge3A_96 : vector<512x1024xf32>
    %jit3A_98 = arith.constant -1 : i32
    %broadcast_in_dim3A_99 = vector.broadcast %jit3A_98 : i32 to vector<512x1024xi32>
    %select_n3A_100 = arith.select %ge3A_97, %iota3A, %broadcast_in_dim3A_99 : vector<512x1024xi1>, vector<512x1024xi32>
    %reduce_max3A_101 = arith.constant dense<-2147483648> : vector<512xi32>
    %reduce_max3A_102 = vector.multi_reduction <maxsi>, %select_n3A_100, %reduce_max3A_101 [1] : vector<512x1024xi32> to vector<512xi32>
    %ge3A_103 = arith.cmpf oge, %reduce_max3A_94, %select_n3A_87 : vector<512xf32>
    %add3A_104 = arith.constant 4096 : i32
    %add3A_105 = vector.broadcast %add3A_104 : i32 to vector<512xi32>
    %add3A_106 = arith.addi %reduce_max3A_102, %add3A_105 : vector<512xi32>
    %select_n3A_107 = arith.select %ge3A_103, %add3A_106, %select_n3A_86 : vector<512xi1>, vector<512xi32>
    %select_n3A_108 = arith.select %ge3A_103, %reduce_max3A_94, %select_n3A_87 : vector<512xi1>, vector<512xf32>
    %get3A_109 = arith.constant 5120 : index
    %get3A_110 = arith.constant 0 : index
    %get3A_111 = vector.load %arg2[%get3A_109, %get3A_110] : memref<8192x256xbf16, #tpu.memory_space<vmem>>, vector<1024x256xbf16>
    %dot_general3A_112 = arith.constant dense<0.000000e+00> : vector<512x1024xf32>
    %dot_general3A_113 = tpu.matmul %convert_element_type3A, %get3A_111, %dot_general3A_112 {dimension_numbers = #tpu.dot_dimension_numbers<[1], [1], [0], [0], [0, 0, 1, 0], [], []>, transpose_lhs_hint = false} : vector<512x256xbf16>, vector<1024x256xbf16>, vector<512x1024xf32> -> vector<512x1024xf32>
    %reduce_max3A_114 = arith.constant dense<0xFF800000> : vector<512xf32>
    %reduce_max3A_115 = vector.multi_reduction <maximumf>, %dot_general3A_113, %reduce_max3A_114 [1] : vector<512x1024xf32> to vector<512xf32>
    %broadcast_in_dim3A_116 = vector.shape_cast %reduce_max3A_115 : vector<512xf32> to vector<512x1xf32>
    %ge3A_117 = vector.broadcast %broadcast_in_dim3A_116 : vector<512x1xf32> to vector<512x1024xf32>
    %ge3A_118 = arith.cmpf oge, %dot_general3A_113, %ge3A_117 : vector<512x1024xf32>
    %jit3A_119 = arith.constant -1 : i32
    %broadcast_in_dim3A_120 = vector.broadcast %jit3A_119 : i32 to vector<512x1024xi32>
    %select_n3A_121 = arith.select %ge3A_118, %iota3A, %broadcast_in_dim3A_120 : vector<512x1024xi1>, vector<512x1024xi32>
    %reduce_max3A_122 = arith.constant dense<-2147483648> : vector<512xi32>
    %reduce_max3A_123 = vector.multi_reduction <maxsi>, %select_n3A_121, %reduce_max3A_122 [1] : vector<512x1024xi32> to vector<512xi32>
    %ge3A_124 = arith.cmpf oge, %reduce_max3A_115, %select_n3A_108 : vector<512xf32>
    %add3A_125 = arith.constant 5120 : i32
    %add3A_126 = vector.broadcast %add3A_125 : i32 to vector<512xi32>
    %add3A_127 = arith.addi %reduce_max3A_123, %add3A_126 : vector<512xi32>
    %select_n3A_128 = arith.select %ge3A_124, %add3A_127, %select_n3A_107 : vector<512xi1>, vector<512xi32>
    %select_n3A_129 = arith.select %ge3A_124, %reduce_max3A_115, %select_n3A_108 : vector<512xi1>, vector<512xf32>
    %get3A_130 = arith.constant 6144 : index
    %get3A_131 = arith.constant 0 : index
    %get3A_132 = vector.load %arg2[%get3A_130, %get3A_131] : memref<8192x256xbf16, #tpu.memory_space<vmem>>, vector<1024x256xbf16>
    %dot_general3A_133 = arith.constant dense<0.000000e+00> : vector<512x1024xf32>
    %dot_general3A_134 = tpu.matmul %convert_element_type3A, %get3A_132, %dot_general3A_133 {dimension_numbers = #tpu.dot_dimension_numbers<[1], [1], [0], [0], [0, 0, 1, 0], [], []>, transpose_lhs_hint = false} : vector<512x256xbf16>, vector<1024x256xbf16>, vector<512x1024xf32> -> vector<512x1024xf32>
    %reduce_max3A_135 = arith.constant dense<0xFF800000> : vector<512xf32>
    %reduce_max3A_136 = vector.multi_reduction <maximumf>, %dot_general3A_134, %reduce_max3A_135 [1] : vector<512x1024xf32> to vector<512xf32>
    %broadcast_in_dim3A_137 = vector.shape_cast %reduce_max3A_136 : vector<512xf32> to vector<512x1xf32>
    %ge3A_138 = vector.broadcast %broadcast_in_dim3A_137 : vector<512x1xf32> to vector<512x1024xf32>
    %ge3A_139 = arith.cmpf oge, %dot_general3A_134, %ge3A_138 : vector<512x1024xf32>
    %jit3A_140 = arith.constant -1 : i32
    %broadcast_in_dim3A_141 = vector.broadcast %jit3A_140 : i32 to vector<512x1024xi32>
    %select_n3A_142 = arith.select %ge3A_139, %iota3A, %broadcast_in_dim3A_141 : vector<512x1024xi1>, vector<512x1024xi32>
    %reduce_max3A_143 = arith.constant dense<-2147483648> : vector<512xi32>
    %reduce_max3A_144 = vector.multi_reduction <maxsi>, %select_n3A_142, %reduce_max3A_143 [1] : vector<512x1024xi32> to vector<512xi32>
    %ge3A_145 = arith.cmpf oge, %reduce_max3A_136, %select_n3A_129 : vector<512xf32>
    %add3A_146 = arith.constant 6144 : i32
    %add3A_147 = vector.broadcast %add3A_146 : i32 to vector<512xi32>
    %add3A_148 = arith.addi %reduce_max3A_144, %add3A_147 : vector<512xi32>
    %select_n3A_149 = arith.select %ge3A_145, %add3A_148, %select_n3A_128 : vector<512xi1>, vector<512xi32>
    %select_n3A_150 = arith.select %ge3A_145, %reduce_max3A_136, %select_n3A_129 : vector<512xi1>, vector<512xf32>
    %get3A_151 = arith.constant 7168 : index
    %get3A_152 = arith.constant 0 : index
    %get3A_153 = vector.load %arg2[%get3A_151, %get3A_152] : memref<8192x256xbf16, #tpu.memory_space<vmem>>, vector<1024x256xbf16>
    %dot_general3A_154 = arith.constant dense<0.000000e+00> : vector<512x1024xf32>
    %dot_general3A_155 = tpu.matmul %convert_element_type3A, %get3A_153, %dot_general3A_154 {dimension_numbers = #tpu.dot_dimension_numbers<[1], [1], [0], [0], [0, 0, 1, 0], [], []>, transpose_lhs_hint = false} : vector<512x256xbf16>, vector<1024x256xbf16>, vector<512x1024xf32> -> vector<512x1024xf32>
    %reduce_max3A_156 = arith.constant dense<0xFF800000> : vector<512xf32>
    %reduce_max3A_157 = vector.multi_reduction <maximumf>, %dot_general3A_155, %reduce_max3A_156 [1] : vector<512x1024xf32> to vector<512xf32>
    %broadcast_in_dim3A_158 = vector.shape_cast %reduce_max3A_157 : vector<512xf32> to vector<512x1xf32>
    %ge3A_159 = vector.broadcast %broadcast_in_dim3A_158 : vector<512x1xf32> to vector<512x1024xf32>
    %ge3A_160 = arith.cmpf oge, %dot_general3A_155, %ge3A_159 : vector<512x1024xf32>
    %jit3A_161 = arith.constant -1 : i32
    %broadcast_in_dim3A_162 = vector.broadcast %jit3A_161 : i32 to vector<512x1024xi32>
    %select_n3A_163 = arith.select %ge3A_160, %iota3A, %broadcast_in_dim3A_162 : vector<512x1024xi1>, vector<512x1024xi32>
    %reduce_max3A_164 = arith.constant dense<-2147483648> : vector<512xi32>
    %reduce_max3A_165 = vector.multi_reduction <maxsi>, %select_n3A_163, %reduce_max3A_164 [1] : vector<512x1024xi32> to vector<512xi32>
    %ge3A_166 = arith.cmpf oge, %reduce_max3A_157, %select_n3A_150 : vector<512xf32>
    %add3A_167 = arith.constant 7168 : i32
    %add3A_168 = vector.broadcast %add3A_167 : i32 to vector<512xi32>
    %add3A_169 = arith.addi %reduce_max3A_165, %add3A_168 : vector<512xi32>
    %select_n3A_170 = arith.select %ge3A_166, %add3A_169, %select_n3A_149 : vector<512xi1>, vector<512xi32>
    %swap3A = arith.constant 0 : index
    %swap3A_171 = arith.constant 0 : index
    %swap3A_172 = arith.constant 0 : index
    %swap3A_173 = vector.load %arg3[%swap3A, %swap3A_171, %swap3A_172] : memref<1x1x512xi32, #tpu.memory_space<vmem>>, vector<1x1x512xi32>
    %swap3A_174 = vector.shape_cast %swap3A_173 : vector<1x1x512xi32> to vector<512xi32>
    %swap3A_175 = vector.shape_cast %select_n3A_170 : vector<512xi32> to vector<1x1x512xi32>
    tpu.vector_store %arg3[%swap3A, %swap3A_171, %swap3A_172], %swap3A_175 {strides = array<i32>} : memref<1x1x512xi32, #tpu.memory_space<vmem>>, vector<1x1x512xi32>,
    return
  }
  func.func @transform_0(%arg0: i32) -> (i32, i32) {
    %c0_i32 = arith.constant 0 : i32
    %c0_i32_0 = arith.constant 0 : i32
    return %arg0, %c0_i32 : i32, i32
  }
  func.func @transform_1(%arg0: i32) -> (i32, i32) {
    %c0_i32 = arith.constant 0 : i32
    %c0_i32_0 = arith.constant 0 : i32
    %c0_i32_1 = arith.constant 0 : i32
    return %c0_i32, %c0_i32_0 : i32, i32
  }
  func.func @transform_2(%arg0: i32) -> (i32, i32, i32) {
    %c0_i32 = arith.constant 0 : i32
    %c0_i32_0 = arith.constant 0 : i32
    %c0_i32_1 = arith.constant 0 : i32
    return %arg0, %c0_i32, %c0_i32_0 : i32, i32, i32
  }
}

module attributes {stable_mosaic.version = 14 : i64} {
  func.func @_wnorm_body(%arg0: memref<8192x256xf32, #tpu.memory_space<vmem>>, %arg1: memref<8192x256xbf16, #tpu.memory_space<vmem>>) attributes {dimension_semantics = [], scalar_prefetch = 0 : i64, scratch_operands = 0 : i64, tpu.core_type = #tpu.core_type<tc>} {
    %get3A = arith.constant 0 : index
    %get3A_0 = arith.constant 0 : index
    %get3A_1 = vector.load %arg0[%get3A, %get3A_0] : memref<8192x256xf32, #tpu.memory_space<vmem>>, vector<8192x256xf32>
    %mul3A = arith.mulf %get3A_1, %get3A_1 : vector<8192x256xf32>
    %reduce_sum3A = arith.constant dense<0.000000e+00> : vector<8192xf32>
    %reduce_sum3A_2 = vector.multi_reduction <add>, %mul3A, %reduce_sum3A [1] : vector<8192x256xf32> to vector<8192xf32>
    %broadcast_in_dim3A = vector.shape_cast %reduce_sum3A_2 : vector<8192xf32> to vector<8192x1xf32>
    %sqrt3A = math.sqrt %broadcast_in_dim3A : vector<8192x1xf32>
    %max3A = arith.constant 9.99999996E-13 : f32
    %max3A_3 = vector.broadcast %max3A : f32 to vector<8192x1xf32>
    %max3A_4 = arith.maximumf %sqrt3A, %max3A_3 : vector<8192x1xf32>
    %div3A = vector.broadcast %max3A_4 : vector<8192x1xf32> to vector<8192x256xf32>
    %div3A_5 = arith.divf %get3A_1, %div3A : vector<8192x256xf32>
    %convert_element_type3A = arith.truncf %div3A_5 : vector<8192x256xf32> to vector<8192x256xbf16>
    %swap3A = arith.constant 0 : index
    %swap3A_6 = arith.constant 0 : index
    %swap3A_7 = vector.load %arg1[%swap3A, %swap3A_6] : memref<8192x256xbf16, #tpu.memory_space<vmem>>, vector<8192x256xbf16>
    tpu.vector_store %arg1[%swap3A, %swap3A_6], %convert_element_type3A {strides = array<i32>} : memref<8192x256xbf16, #tpu.memory_space<vmem>>, vector<8192x256xbf16>,
    return
  }
}

</mosaic_0001>

<sc_bundles>
// kernel: kernel.6.cloned.1.call-start
scs
__scs_entry_jumppad:
0x0: {  	(pc) =	sbr.rel $0x88, $3  }
0x1: {  	(tag) =	ssettag $0x0;
	lr =	simm.s32 $0x1  }
0x2: {  	[smem:$0x3F9F] =	sst lr;
	_ =	strace $0xD0000000  }
0x3: {  	_ = 	snop  }
0x4: {  	_ = 	snop  }
0x5: {  	_ = 	snop  }
0x6: {  	_ = 	snop  }
0x7: {  	_ = 	snop  }
__scs_overlays_trampoline_lowered:
0x8: {  	[smem:$0x3FAE] =	sst s0  }
0x9: {  	[smem:$0x3FAF] =	sst s1  }
0xa: {  	[smem:$0x3FB0] =	sst s2  }
0xb: {  	[smem:$0x3FB1] =	sst s3  }
0xc: {  	[smem:$0x3FB2] =	sst s4  }
0xd: {  	[smem:$0x3FB3] =	sst s5  }
0xe: {  	[smem:$0x3FB4] =	sst s6  }
0xf: {  	[smem:$0x3FB5] =	sst s7  }
0x10: {  	[smem:$0x3FB6] =	sst s8  }
0x11: {  	[smem:$0x3FB7] =	sst s9;
	s0 =	simm.s32 @!p0 $0x0  }
0x12: {  	s1 =	sld [smem:$0x3F9D];
	s0 =	simm.s32 @p0 $0x1  }
0x13: {  	[smem:$0x3FB8] =	sst s0;
	s0 =	simm.s32 @!p1 $0x0  }
0x14: {  	s2 =	sld [smem:$0x3F9C];
	s0 =	simm.s32 @p1 $0x1  }
0x15: {  	[smem:$0x3FB9] =	sst s0;
	s0 =	simm.s32 @!p2 $0x0  }
0x16: {  	s3 =	sld [smem:$0x3FDB];
	s0 =	simm.s32 @p2 $0x1  }
0x17: {  	s4 =	simm.s32 $0x1BF5;
	[smem:$0x3FBB] =	sst s0  }
0x18: {  	s0 =	sld [smem:$0x3F9E];
	_ =	swait.ge [sflag:s4], $0x0  }
0x19: {  	s7 =	sld [smem:$0x3F9F]  }
0x1a: {  	s8 =	sadd.s32 $0xFFFFE003, lr  }
0x1b: {  	s9 =	sadd.s32 $0xFFFFFEF7, lr;
	s5 =	simm.s32 $0xFFFFFFFF;
	p2 =	slt.u32 s8, $0xFFFFF086  }
0x1c: {  	p1 =	slt.u32 s9, $0xF7A;
	s5 =	simm.s32 @!p2 $0x0  }
0x1d: {  	s5 =	simm.s32 @p1 $0x1;
	p0 =	seq.s32 s7, s2  }
0x1e: {  	s7 =	smul.u32 @!p0 $0xF7A, s2;
	p2 =	seq.s32 @!p0 s5, $0x0  }
0x1f: {  	s9 =	smul.u32 $0xF7A, s1;
	s8 =	simm.s32 @!p0 $0x1BF5;
	p2 =	por !p2, p0  }
0x20: {  	[sflag:s8] =	ssyncset.s32 @!p0 $0xFFFFF086;
	s6 =	sadd.s32 @!p0 s3, s7;
	s7 =	simm.s32 @!p0 $0x108  }
0x21: {  	s3 =	sadd.s32 s3, s9;
	s6 =	sadd.s32 @!p0 $0x88, s6;
	s7 =	simm.s32 @p2 $0x1082  }
0x22: {  	[simem:s7], [sflag:s8] =	dma.local @!p0 [hbm:s6], $0xF7A  }
0x23: {  	s9 =	sor.u32 $0xD0000000, s2;
	s6 =	simm.s32 $0x108;
	_ =	swait.ge @!p0 [sflag:s8], $0x0  }
0x24: {  	s3 =	sadd.s32 $0x88, s3;
	s6 =	simm.s32 @!p1 $0x1082;
	[sflag:s4] =	ssyncset.s32 $0xFFFFF086  }
0x25: {  	[simem:s6], [sflag:s4] =	dma.local [hbm:s3], $0xF7A  }
0x26: {  	[smem:$0x3F9F] =	sst s1;
	(tag) =	ssettag s2;
	_ =	strace s9  }
0x27: {  	s1 =	sld [smem:$0x3FAF]  }
0x28: {  	s2 =	sld [smem:$0x3FB0]  }
0x29: {  	s4 =	sld [smem:$0x3FB2]  }
0x2a: {  	p0 =	seq.s32 s5, $0x0;
	s5 =	sld [smem:$0x3FB3]  }
0x2b: {  	s6 =	sld [smem:$0x3FB4]  }
0x2c: {  	s7 =	sld [smem:$0x3FB5]  }
0x2d: {  	s3 =	simm.s32 $0x108;
	s8 =	sld [smem:$0x3FB6]  }
0x2e: {  	s3 =	simm.s32 @!p0 $0x1082;
	s9 =	sld [smem:$0x3FB7]  }
0x2f: {  	lr =	sadd.s32 s0, s3;
	s0 =	sld [smem:$0x3FAE]  }
0x30: {  	s3 =	sld [smem:$0x3FB1]  }
0x31: {  	[smem:$0x3FBA] =	sst s10  }
0x32: {  	s10 =	sld [smem:$0x3FB8];
	_ =	sdelay $0x3  }
0x33: {  	p0 =	seq.s32 s10, $0x1;
	s10 =	sld [smem:$0x3FBA];
	_ =	sdelay $0x3  }
0x34: {  	[smem:$0x3FBA] =	sst s10  }
0x35: {  	s10 =	sld [smem:$0x3FB9];
	_ =	sdelay $0x3  }
0x36: {  	p1 =	seq.s32 s10, $0x1;
	s10 =	sld [smem:$0x3FBA];
	_ =	sdelay $0x3  }
0x37: {  	[smem:$0x3FBA] =	sst s10  }
0x38: {  	s10 =	sld [smem:$0x3FBB]  }
0x39: {  	_ = 	snop;
	(pc) =	sbr.ind lr, $3  }
0x3a: {  	_ = 	snop  }
0x3b: {  	_ = 	snop  }
0x3c: {  	p2 =	seq.s32 s10, $0x1;
	s10 =	sld [smem:$0x3FBA]  }
0x3d: {  	_ =	shalt  }
0x3e: {  	_ =	shalt  }
0x3f: {  	_ =	shalt  }
0x40: {  	_ =	shalt  }
0x41: {  	_ =	shalt  }
0x42: {  	_ =	shalt  }
0x43: {  	_ =	shalt  }
0x44: {  	_ =	shalt  }
0x45: {  	_ =	shalt  }
0x46: {  	_ =	shalt  }
0x47: {  	_ =	shalt  }
0x48: {  	_ =	shalt  }
0x49: {  	_ =	shalt  }
0x4a: {  	_ =	shalt  }
0x4b: {  	_ =	shalt  }
0x4c: {  	_ =	shalt  }
0x4d: {  	_ =	shalt  }
0x4e: {  	_ =	shalt  }
0x4f: {  	_ =	shalt  }
0x50: {  	_ =	shalt  }
0x51: {  	_ =	shalt  }
0x52: {  	_ =	shalt  }
0x53: {  	_ =	shalt  }
0x54: {  	_ =	shalt  }
0x55: {  	_ =	shalt  }
0x56: {  	_ =	shalt  }
0x57: {  	_ =	shalt  }
0x58: {  	_ =	shalt  }
0x59: {  	_ =	shalt  }
0x5a: {  	_ =	shalt  }
0x5b: {  	_ =	shalt  }
0x5c: {  	_ =	shalt  }
0x5d: {  	_ =	shalt  }
0x5e: {  	_ =	shalt  }
0x5f: {  	_ =	shalt  }
0x60: {  	_ =	shalt  }
0x61: {  	_ =	shalt  }
0x62: {  	_ =	shalt  }
0x63: {  	_ =	shalt  }
0x64: {  	_ =	shalt  }
0x65: {  	_ =	shalt  }
0x66: {  	_ =	shalt  }
0x67: {  	_ =	shalt  }
0x68: {  	_ =	shalt  }
0x69: {  	_ =	shalt  }
0x6a: {  	_ =	shalt  }
0x6b: {  	_ =	shalt  }
0x6c: {  	_ =	shalt  }
0x6d: {  	_ =	shalt  }
0x6e: {  	_ =	shalt  }
0x6f: {  	_ =	shalt  }
0x70: {  	_ =	shalt  }
0x71: {  	_ =	shalt  }
0x72: {  	_ =	shalt  }
0x73: {  	_ =	shalt  }
0x74: {  	_ =	shalt  }
0x75: {  	_ =	shalt  }
0x76: {  	_ =	shalt  }
0x77: {  	_ =	shalt  }
0x78: {  	_ =	shalt  }
0x79: {  	_ =	shalt  }
0x7a: {  	_ =	shalt  }
0x7b: {  	_ =	shalt  }
0x7c: {  	_ =	shalt  }
0x7d: {  	_ =	shalt  }
0x7e: {  	_ =	shalt  }
0x7f: {  	_ =	shalt  }
0x80: {  	_ =	shalt  }
0x81: {  	_ =	shalt  }
0x82: {  	_ =	shalt  }
0x83: {  	_ =	shalt  }
0x84: {  	_ =	shalt  }
0x85: {  	_ =	shalt  }
0x86: {  	_ =	shalt  }
0x87: {  	_ =	shalt  }
.Lfunc_end0:
.L_simem_size_0:
called_computation_lowered:
.L_overlay_start_0:
0x88: {  	s2 =	sld [smem:$0x3FD9]  }
0x89: {  	s3 =	sld [smem:$0x3FFE];
	_ =	sdelay $0x1  }
0x8a: {  	s1 =	srdreg.scid  }
0x8b: {  	s0 =	sand.u32 $0x1, s1  }
0x8c: {  	s15 =	sshll.u32 s0, $0xA;
	s2 =	sadd.s32 s3, s2  }
0x8d: {  	s2 =	sadd.s32 s2, s15  }
0x8e: {  	[smem:$0x3FC6] =	sst s2  }
0x8f: {  	_ = 	snop  }
0x90: {  	s2 =	sld [smem:$0x3FD0];
	_ =	sdelay $0x2  }
0x91: {  	s4 =	simm.s32 $0xA;
	s5 =	simm.s32 $0x10;
	s16 =	sld [smem:$0x3FC8]  }
0x92: {  	[smem:s5], [sflag:s4] =	dma.local [hbm:s2], $0x1  }
0x93: {  	_ =	swait.eq [sflag:s4], $0x1  }
0x94: {  	[sflag:s4] =	ssyncset.done $0x0  }
0x95: {  	s17 =	sld [smem:$0x10];
	[sflag:s4] =	ssyncadd.s32 $0xFFFFFFFF  }
0x96: {  	s18 =	sld [smem:$0x13];
	(tm) =	ssettm $0x1  }
0x97: {  	s19 =	sld [smem:$0x3FFB];
	_ =	sdelay $0x3  }
0x98: {  	_ =	strace s19  }
0x99: {  	s5 =	sld [smem:$0x3FFC];
	_ =	sdelay $0x3  }
0x9a: {  	_ =	strace s5  }
0x9b: {  	s5 =	sld [smem:$0x3FFD];
	_ =	sdelay $0x3  }
0x9c: {  	_ =	strace s5  }
0x9d: {  	_ =	strace $0x8FFFFFFF  }
0x9e: {  	s20 =	sld [smem:$0x3FDB];
	_ =	sdelay $0x1  }
0x9f: {  	s6 =	simm.s32 $_scs_section_size  }
0xa0: {  	s7 =	simm.s32 $_size__tile_overlayer_lowered;
	s8 =	simm.s32 $_tile_overlayer_lowered  }
0xa1: {  	s23 =	simm.s32 $0x1BFF;
	s22 =	sshll.u32 s8, $0x1;
	s5 =	sadd.s32 s6, s20  }
0xa2: {  	s9 =	simm.s32 $0x0;
	s21 =	sshll.u32 s7, $0x1;
	s7 =	sadd.s32 s22, s5  }
0xa3: {  	[timem:s9], [sflag:s23] =	dma.local [hbm:s7], s21  }
0xa4: {  	_ =	swait.ge [sflag:s23], s21  }
0xa5: {  	s6 =	ssub.s32 $0x0, s21;
	[sflag:s23] =	ssyncset.done $0x0  }
0xa6: {  	[sflag:s23] =	ssyncadd.s32 s6;
	_ =	sdelay $0x1  }
0xa7: {  	s24 =	simm.s32 $0x1B8B  }
0xa8: {  	_ =	swait.ge [sflag:s24], $0x1  }
0xa9: {  	[sflag:s24] =	ssyncset.done $0x0  }
0xaa: {  	s25 =	simm.s32 $0x1B8E;
	[sflag:s24] =	ssyncadd.s32 $0xFFFFFFFF  }
0xab: {  	s26 =	simm.s32 $execute0_lowered;
	[smem:$0x3FD2] =	sst s25  }
0xac: {  	s6 =	sshll.u32 s26, $0x1;
	_ =	strace $0x80000046;
	[dreg:$0x1] =	wrdreg $0xFFFFFFFF  }
0xad: {  	s28 =	simm.s32 $_size_execute0_lowered;
	s5 =	sadd.s32 s5, s6;
	[dreg:$0x0] =	wrdreg $0x0  }
0xae: {  	s6 =	sshll.u32 s28, $0x1;
	[dreg:$0x2] =	wrdreg s5  }
0xaf: {  	[dreg:$0x3] =	wrdreg s6  }
0xb0: {  	[dreg:$0x4] =	wrdreg $0xC0  }
0xb1: {  	_ =	task [dreg:s9], $0x5FFFF  }
0xb2: {  	[dreg:$0x1] =	wrdreg $0xFFFFFFFF  }
0xb3: {  	[dreg:$0x0] =	wrdreg $0x60  }
0xb4: {  	[dreg:$0x2] =	wrdreg s16  }
0xb5: {  	[dreg:$0x3] =	wrdreg s18  }
0xb6: {  	[dreg:$0x4] =	wrdreg s17  }
0xb7: {  	[dreg:$0x5] =	wrdreg $0x9  }
0xb8: {  	_ =	task.clear_ibuf [dreg:s9], $0x6FFFF;
	_ =	strace $0x90000046  }
0xb9: {  	s29 =	simm.s32 $0x9;
	_ =	strace $0x80000048  }
0xba: {  	_ =	swait.ge [sflag:s29], $0x1  }
0xbb: {  	[sflag:s29] =	ssyncadd.s32 $0xFFFFFFFF  }
0xbc: {  	_ =	strace $0x90000048  }
0xbd: {  	_ =	sfence  }
0xbe: {  	s30 =	sld [smem:$0x0];
	_ =	sdelay $0x2  }
0xbf: {  	s31 =	sshll.u32 s1, $0xD;
	s1 =	sshrl.u32 s1, $0x2  }
0xc0: {  	s3 =	sand.u32 $0x4000, s31;
	s1 =	sadd.s32 s1, s30  }
0xc1: {  	s0 =	sor.u32 s3, s0;
	s1 =	sshll.u32 s1, $0x11  }
0xc2: {  	s0 =	sor.u32 s1, s0  }
0xc3: {  	s0 =	sadd.s32 $0x8F2B, s0  }
0xc4: {  	[sflag:s0] =	ssyncadd.remote.s32 $0x1  }
0xc5: {  	_ =	sfence.sel $0xFFFF  }
0xc6: {  	[dreg:$0x0] =	wrdreg $0xFFFFFFFF;
	(pc) =	sbr.abs _section_cstart, $3  }
0xc7: {  	[dreg:$0x1] =	wrdreg $0xFFFFFFFF  }
0xc8: {  	_ =	task.clear_ibuf [dreg:s9], $0x2FFFF;
	_ =	strace $0x9FFFFFFF  }
0xc9: {  	(tm) =	ssettm $0x7FFFFFFF  }
tec
execute0_lowered:
.L_overlay_start_1:
0x0: {  	(tag) =	ssettag $0x1  }
0x1: {  	s1 =	rddreg [dreg:$0x0]  }
0x2: {  	s0 =	rddreg [dreg:$0x1]  }
0x3: {  	s2 =	rddreg [dreg:$0x2]  }
0x4: {  	s3 =	simm.s32 $0x0;
	s4 =	srdreg.scid;
	s8 =	stileid.u32  }
0x5: {  	s17 =	simm.s32 $0x1200;
	s18 =	simm.s32 $0x1A00;
	s19 =	simm.s32 $0x2200  }
0x6: {  	s20 =	simm.s32 $0x2A00;
	s21 =	simm.s32 $0x3200;
	s28 =	simm.s32 $0x5200  }
0x7: {  	s29 =	simm.s32 $0x5A00;
	s30 =	simm.s32 $0x6200;
	s31 =	simm.s32 $0x6A00  }
0x8: {  	s9 =	simm.s32 $0x9200;
	s10 =	simm.s32 $0x9A00;
	s11 =	simm.s32 $0xA200  }
0x9: {  	s13 =	simm.s32 $0xB200;
	s14 =	simm.s32 $0xBA00;
	s15 =	simm.s32 $0x200  }
0xa: {  	[smem:$0x7FF] =	sst s3;
	s5 =	sand.u32 $0x1, s4;
	s6 =	sshll.u32 s8, $0xF  }
0xb: {  	s8 =	sshll.u32 s8, $0x7;
	s4 =	sshll.u32 s5, $0x6;
	s7 =	sshll.u32 s5, $0xE  }
0xc: {  	_ =	strace $0x80000047;
	s24 =	ssub.s32 $0x2, s5;
	s0 =	sadd.s32 s0, s4  }
0xd: {  	s22 =	sor.u32 s7, s6;
	s5 =	sshrl.u32 s24, $0x1;
	s6 =	simm.s32 $0x3  }
0xe: {  	s7 =	simm.s32 $0x2;
	s0 =	sadd.s32 s8, s0;
	s4 =	sadd.s32 s2, s22  }
0xf: {  	s2 =	ssub.s32 s24, s5;
	s22 =	simm.s32 $0x3A00;
	[dreg:$0x4] =	wrdreg s0  }
0x10: {  	s8 =	simm.s32 $0x8A00;
	s23 =	sadd.s32 $0x1000, s4;
	[dreg:$0x8] =	wrdreg s4  }
0x11: {  	s24 =	simm.s32 $0xCA00;
	s25 =	sadd.s32 $0x2000, s4;
	[dreg:$0x5] =	wrdreg s23  }
0x12: {  	v2 =	vlaneseq.u32;
	s26 =	sadd.s32 $0x3000, s4;
	s5 =	smax.u32 s2, $0x1;
	[dreg:$0x6] =	wrdreg s25  }
0x13: {  	vm0 =	vmmov $0xffff;
	v1 =	vshrl.u32 v2, $0x3;
	s2 =	simm.s32 $0x7200;
	s4 =	simm.s32 $0x7A00;
	[dreg:$0x7] =	wrdreg s26  }
0x14: {  	v0 =	vand.u32 $0x7, v2;
	v2 =	vor.u32 $0x8, v2;
	v1 =	vmul.u32 $0x8, v1;
	s25 =	simm.s32 $0x4200;
	s26 =	simm.s32 $0x4A00;
	s23 =	simm.s32 $0x8200  }
.LBB2_1:
0x15: {  	s16 =	rddreg [dreg:$0x4]  }
0x16: {  	[tilespmem:s3], [sflag:$0x3] =	stream.linear.gather [hbm4b:s16+s3], $0x200, $0x38;
	[tilespmem:$0x10200] =	vst v63  }
0x17: {  	_ =	swait.ge [sflag:s6], $0x200  }
0x18: {  	[sflag:s6] =	ssyncset.done $0x0  }
0x19: {  	[sflag:s6] =	ssyncadd.s32 $0xFFFFFE00  }
0x1a: {  	v3 =	vld [tilespmem:$0x0];
	_ =	sdelay $0x4  }
0x1b: {  	v4 =	vshll.u32 v3, $0x1  }
0x1c: {  	v3 =	vand.u32 $0x7, v3;
	v4 =	vand.u32 $0xFFFFFFF0, v4  }
0x1d: {  	v3 =	vor.u32 v3, v4  }
0x1e: {  	v4 =	vperm.xlane v3, v0;
	_ =	sdelay $0x1  }
0x1f: {  	v3 =	vperm.xlane v3, v2;
	v4 =	vadd.s32 v1, v4;
	_ =	sdelay $0x1  }
0x20: {  	v3 =	vadd.s32 v1, v3;
	_ =	sdelay $0x1  }
0x21: {  	s0 =	simm.s32 $0x200  }
0x22: {  	[tilespmem:s0], [sflag:$0x1] =	stream.indirect_vreg.gather [hbm4b:s1+s3], $0x80, v4, vm0, $0xb8;
	[tilespmem:$0x10200] =	vst v63  }
0x23: {  	s16 =	simm.s32 $0xA00  }
0x24: {  	[tilespmem:s16], [sflag:$0x1] =	stream.indirect_vreg.gather [hbm4b:s1+s3], $0x80, v3, vm0, $0xb8;
	[tilespmem:$0x10200] =	vst v63  }
0x25: {  	v3 =	vld [tilespmem:$0x10];
	_ =	sdelay $0x4  }
0x26: {  	v33 =	vshll.u32 v3, $0x1  }
0x27: {  	v3 =	vand.u32 $0x7, v3;
	v4 =	vand.u32 $0xFFFFFFF0, v33  }
0x28: {  	v3 =	vor.u32 v3, v4  }
0x29: {  	v4 =	vperm.xlane v3, v0;
	_ =	sdelay $0x1  }
0x2a: {  	v3 =	vperm.xlane v3, v2;
	v4 =	vadd.s32 v1, v4;
	_ =	sdelay $0x1  }
0x2b: {  	v3 =	vadd.s32 v1, v3;
	_ =	sdelay $0x2  }
0x2c: {  	[tilespmem:s17], [sflag:$0x1] =	stream.indirect_vreg.gather [hbm4b:s1+s3], $0x80, v4, vm0, $0xb8;
	[tilespmem:$0x10200] =	vst v63  }
0x2d: {  	_ = 	snop  }
0x2e: {  	[tilespmem:s18], [sflag:$0x1] =	stream.indirect_vreg.gather [hbm4b:s1+s3], $0x80, v3, vm0, $0xb8;
	[tilespmem:$0x10200] =	vst v63  }
0x2f: {  	v3 =	vld [tilespmem:$0x20];
	_ =	sdelay $0x4  }
0x30: {  	v34 =	vshll.u32 v3, $0x1  }
0x31: {  	v3 =	vand.u32 $0x7, v3;
	v4 =	vand.u32 $0xFFFFFFF0, v34  }
0x32: {  	v3 =	vor.u32 v3, v4  }
0x33: {  	v4 =	vperm.xlane v3, v0;
	_ =	sdelay $0x1  }
0x34: {  	v3 =	vperm.xlane v3, v2;
	v4 =	vadd.s32 v1, v4;
	_ =	sdelay $0x1  }
0x35: {  	v3 =	vadd.s32 v1, v3;
	_ =	sdelay $0x2  }
0x36: {  	[tilespmem:s19], [sflag:$0x1] =	stream.indirect_vreg.gather [hbm4b:s1+s3], $0x80, v4, vm0, $0xb8;
	[tilespmem:$0x10200] =	vst v63  }
0x37: {  	_ = 	snop  }
0x38: {  	[tilespmem:s20], [sflag:$0x1] =	stream.indirect_vreg.gather [hbm4b:s1+s3], $0x80, v3, vm0, $0xb8;
	[tilespmem:$0x10200] =	vst v63  }
0x39: {  	v3 =	vld [tilespmem:$0x30];
	_ =	sdelay $0x4  }
0x3a: {  	v35 =	vshll.u32 v3, $0x1  }
0x3b: {  	v3 =	vand.u32 $0x7, v3;
	v4 =	vand.u32 $0xFFFFFFF0, v35  }
0x3c: {  	v3 =	vor.u32 v3, v4  }
0x3d: {  	v4 =	vperm.xlane v3, v0;
	_ =	sdelay $0x1  }
0x3e: {  	v3 =	vperm.xlane v3, v2;
	v4 =	vadd.s32 v1, v4;
	_ =	sdelay $0x1  }
0x3f: {  	v3 =	vadd.s32 v1, v3;
	_ =	sdelay $0x2  }
0x40: {  	[tilespmem:s21], [sflag:$0x1] =	stream.indirect_vreg.gather [hbm4b:s1+s3], $0x80, v4, vm0, $0xb8;
	[tilespmem:$0x10200] =	vst v63  }
0x41: {  	_ = 	snop  }
0x42: {  	[tilespmem:s22], [sflag:$0x1] =	stream.indirect_vreg.gather [hbm4b:s1+s3], $0x80, v3, vm0, $0xb8;
	[tilespmem:$0x10200] =	vst v63  }
0x43: {  	v3 =	vld [tilespmem:$0x40];
	_ =	sdelay $0x4  }
0x44: {  	v36 =	vshll.u32 v3, $0x1  }
0x45: {  	v3 =	vand.u32 $0x7, v3;
	v4 =	vand.u32 $0xFFFFFFF0, v36  }
0x46: {  	v3 =	vor.u32 v3, v4  }
0x47: {  	v4 =	vperm.xlane v3, v0;
	_ =	sdelay $0x1  }
0x48: {  	v3 =	vperm.xlane v3, v2;
	v4 =	vadd.s32 v1, v4;
	_ =	sdelay $0x1  }
0x49: {  	v3 =	vadd.s32 v1, v3;
	_ =	sdelay $0x2  }
0x4a: {  	[tilespmem:s25], [sflag:$0x1] =	stream.indirect_vreg.gather [hbm4b:s1+s3], $0x80, v4, vm0, $0xb8;
	[tilespmem:$0x10200] =	vst v63  }
0x4b: {  	_ = 	snop  }
0x4c: {  	[tilespmem:s26], [sflag:$0x1] =	stream.indirect_vreg.gather [hbm4b:s1+s3], $0x80, v3, vm0, $0xb8;
	[tilespmem:$0x10200] =	vst v63  }
0x4d: {  	v3 =	vld [tilespmem:$0x50];
	_ =	sdelay $0x4  }
0x4e: {  	v37 =	vshll.u32 v3, $0x1  }
0x4f: {  	v3 =	vand.u32 $0x7, v3;
	v4 =	vand.u32 $0xFFFFFFF0, v37  }
0x50: {  	v3 =	vor.u32 v3, v4  }
0x51: {  	v4 =	vperm.xlane v3, v0;
	_ =	sdelay $0x1  }
0x52: {  	v3 =	vperm.xlane v3, v2;
	v4 =	vadd.s32 v1, v4;
	_ =	sdelay $0x1  }
0x53: {  	v3 =	vadd.s32 v1, v3;
	_ =	sdelay $0x2  }
0x54: {  	[tilespmem:s28], [sflag:$0x1] =	stream.indirect_vreg.gather [hbm4b:s1+s3], $0x80, v4, vm0, $0xb8;
	[tilespmem:$0x10200] =	vst v63  }
0x55: {  	_ = 	snop  }
0x56: {  	[tilespmem:s29], [sflag:$0x1] =	stream.indirect_vreg.gather [hbm4b:s1+s3], $0x80, v3, vm0, $0xb8;
	[tilespmem:$0x10200] =	vst v63  }
0x57: {  	v3 =	vld [tilespmem:$0x60];
	_ =	sdelay $0x4  }
0x58: {  	v38 =	vshll.u32 v3, $0x1  }
0x59: {  	v3 =	vand.u32 $0x7, v3;
	v4 =	vand.u32 $0xFFFFFFF0, v38  }
0x5a: {  	v3 =	vor.u32 v3, v4  }
0x5b: {  	v4 =	vperm.xlane v3, v0;
	_ =	sdelay $0x1  }
0x5c: {  	v3 =	vperm.xlane v3, v2;
	v4 =	vadd.s32 v1, v4;
	_ =	sdelay $0x1  }
0x5d: {  	v3 =	vadd.s32 v1, v3;
	_ =	sdelay $0x2  }
0x5e: {  	[tilespmem:s30], [sflag:$0x1] =	stream.indirect_vreg.gather [hbm4b:s1+s3], $0x80, v4, vm0, $0xb8;
	[tilespmem:$0x10200] =	vst v63  }
0x5f: {  	_ = 	snop  }
0x60: {  	[tilespmem:s31], [sflag:$0x1] =	stream.indirect_vreg.gather [hbm4b:s1+s3], $0x80, v3, vm0, $0xb8;
	[tilespmem:$0x10200] =	vst v63  }
0x61: {  	v3 =	vld [tilespmem:$0x70];
	_ =	sdelay $0x4  }
0x62: {  	v39 =	vshll.u32 v3, $0x1  }
0x63: {  	v3 =	vand.u32 $0x7, v3;
	v4 =	vand.u32 $0xFFFFFFF0, v39  }
0x64: {  	v3 =	vor.u32 v3, v4  }
0x65: {  	v4 =	vperm.xlane v3, v0;
	_ =	sdelay $0x1  }
0x66: {  	v3 =	vperm.xlane v3, v2;
	v4 =	vadd.s32 v1, v4;
	_ =	sdelay $0x1  }
0x67: {  	v3 =	vadd.s32 v1, v3;
	_ =	sdelay $0x2  }
0x68: {  	[tilespmem:s2], [sflag:$0x1] =	stream.indirect_vreg.gather [hbm4b:s1+s3], $0x80, v4, vm0, $0xb8;
	[tilespmem:$0x10200] =	vst v63  }
0x69: {  	s0 =	simm.s32 $0x1  }
0x6a: {  	[tilespmem:s4], [sflag:$0x1] =	stream.indirect_vreg.gather [hbm4b:s1+s3], $0x80, v3, vm0, $0xb8;
	[tilespmem:$0x10200] =	vst v63  }
0x6b: {  	_ =	swait.ge [sflag:s0], $0x8000  }
0x6c: {  	[sflag:s0] =	ssyncset.done $0x0  }
0x6d: {  	[sflag:s0] =	ssyncadd.s32 $0xFFFF8000  }
0x6e: {  	v3 =	vld [tilespmem:$0x80];
	_ =	sdelay $0x4  }
0x6f: {  	v40 =	vshll.u32 v3, $0x1  }
0x70: {  	v3 =	vand.u32 $0x7, v3;
	v4 =	vand.u32 $0xFFFFFFF0, v40  }
0x71: {  	v3 =	vor.u32 v3, v4  }
0x72: {  	v4 =	vperm.xlane v3, v0;
	_ =	sdelay $0x1  }
0x73: {  	v3 =	vperm.xlane v3, v2;
	v4 =	vadd.s32 v1, v4;
	_ =	sdelay $0x1  }
0x74: {  	v3 =	vadd.s32 v1, v3;
	_ =	sdelay $0x2  }
0x75: {  	[tilespmem:s23], [sflag:$0x2] =	stream.indirect_vreg.gather [hbm4b:s1+s3], $0x80, v4, vm0, $0xb8;
	[tilespmem:$0x10200] =	vst v63  }
0x76: {  	_ = 	snop  }
0x77: {  	[tilespmem:s8], [sflag:$0x2] =	stream.indirect_vreg.gather [hbm4b:s1+s3], $0x80, v3, vm0, $0xb8;
	[tilespmem:$0x10200] =	vst v63  }
0x78: {  	v3 =	vld [tilespmem:$0x90];
	_ =	sdelay $0x4  }
0x79: {  	v41 =	vshll.u32 v3, $0x1  }
0x7a: {  	v3 =	vand.u32 $0x7, v3;
	v4 =	vand.u32 $0xFFFFFFF0, v41  }
0x7b: {  	v3 =	vor.u32 v3, v4  }
0x7c: {  	v4 =	vperm.xlane v3, v0;
	_ =	sdelay $0x1  }
0x7d: {  	v3 =	vperm.xlane v3, v2;
	v4 =	vadd.s32 v1, v4;
	_ =	sdelay $0x1  }
0x7e: {  	v3 =	vadd.s32 v1, v3;
	_ =	sdelay $0x2  }
0x7f: {  	[tilespmem:s9], [sflag:$0x2] =	stream.indirect_vreg.gather [hbm4b:s1+s3], $0x80, v4, vm0, $0xb8;
	[tilespmem:$0x10200] =	vst v63  }
0x80: {  	_ = 	snop  }
0x81: {  	[tilespmem:s10], [sflag:$0x2] =	stream.indirect_vreg.gather [hbm4b:s1+s3], $0x80, v3, vm0, $0xb8;
	[tilespmem:$0x10200] =	vst v63  }
0x82: {  	v3 =	vld [tilespmem:$0xA0];
	_ =	sdelay $0x4  }
0x83: {  	v42 =	vshll.u32 v3, $0x1  }
0x84: {  	v3 =	vand.u32 $0x7, v3;
	v4 =	vand.u32 $0xFFFFFFF0, v42  }
0x85: {  	v3 =	vor.u32 v3, v4  }
0x86: {  	v4 =	vperm.xlane v3, v0;
	_ =	sdelay $0x1  }
0x87: {  	v3 =	vperm.xlane v3, v2;
	v4 =	vadd.s32 v1, v4;
	_ =	sdelay $0x1  }
0x88: {  	v3 =	vadd.s32 v1, v3;
	_ =	sdelay $0x2  }
0x89: {  	[tilespmem:s11], [sflag:$0x2] =	stream.indirect_vreg.gather [hbm4b:s1+s3], $0x80, v4, vm0, $0xb8;
	[tilespmem:$0x10200] =	vst v63  }
0x8a: {  	s12 =	simm.s32 $0xAA00  }
0x8b: {  	[tilespmem:s12], [sflag:$0x2] =	stream.indirect_vreg.gather [hbm4b:s1+s3], $0x80, v3, vm0, $0xb8;
	[tilespmem:$0x10200] =	vst v63  }
0x8c: {  	v3 =	vld [tilespmem:$0xB0];
	_ =	sdelay $0x4  }
0x8d: {  	v43 =	vshll.u32 v3, $0x1  }
0x8e: {  	v3 =	vand.u32 $0x7, v3;
	v4 =	vand.u32 $0xFFFFFFF0, v43  }
0x8f: {  	v3 =	vor.u32 v3, v4  }
0x90: {  	v4 =	vperm.xlane v3, v0;
	_ =	sdelay $0x1  }
0x91: {  	v3 =	vperm.xlane v3, v2;
	v4 =	vadd.s32 v1, v4;
	_ =	sdelay $0x1  }
0x92: {  	v3 =	vadd.s32 v1, v3;
	_ =	sdelay $0x2  }
0x93: {  	[tilespmem:s13], [sflag:$0x2] =	stream.indirect_vreg.gather [hbm4b:s1+s3], $0x80, v4, vm0, $0xb8;
	[tilespmem:$0x10200] =	vst v63  }
0x94: {  	_ = 	snop  }
0x95: {  	[tilespmem:s14], [sflag:$0x2] =	stream.indirect_vreg.gather [hbm4b:s1+s3], $0x80, v3, vm0, $0xb8;
	[tilespmem:$0x10200] =	vst v63  }
0x96: {  	v3 =	vld [tilespmem:$0xC0];
	_ =	sdelay $0x4  }
0x97: {  	v44 =	vshll.u32 v3, $0x1  }
0x98: {  	v3 =	vand.u32 $0x7, v3;
	v4 =	vand.u32 $0xFFFFFFF0, v44  }
0x99: {  	v3 =	vor.u32 v3, v4  }
0x9a: {  	v4 =	vperm.xlane v3, v0;
	_ =	sdelay $0x1  }
0x9b: {  	v3 =	vperm.xlane v3, v2;
	v4 =	vadd.s32 v1, v4;
	_ =	sdelay $0x1  }
0x9c: {  	v3 =	vadd.s32 v1, v3;
	_ =	sdelay $0x1  }
0x9d: {  	s12 =	simm.s32 $0xC200  }
0x9e: {  	[tilespmem:s12], [sflag:$0x2] =	stream.indirect_vreg.gather [hbm4b:s1+s3], $0x80, v4, vm0, $0xb8;
	[tilespmem:$0x10200] =	vst v63  }
0x9f: {  	_ = 	snop  }
0xa0: {  	[tilespmem:s24], [sflag:$0x2] =	stream.indirect_vreg.gather [hbm4b:s1+s3], $0x80, v3, vm0, $0xb8;
	[tilespmem:$0x10200] =	vst v63  }
0xa1: {  	v3 =	vld [tilespmem:$0xD0];
	_ =	sdelay $0x4  }
0xa2: {  	v45 =	vshll.u32 v3, $0x1  }
0xa3: {  	v3 =	vand.u32 $0x7, v3;
	v4 =	vand.u32 $0xFFFFFFF0, v45  }
0xa4: {  	v3 =	vor.u32 v3, v4  }
0xa5: {  	v4 =	vperm.xlane v3, v0;
	_ =	sdelay $0x1  }
0xa6: {  	v3 =	vperm.xlane v3, v2;
	v4 =	vadd.s32 v1, v4;
	_ =	sdelay $0x1  }
0xa7: {  	v3 =	vadd.s32 v1, v3;
	_ =	sdelay $0x1  }
0xa8: {  	s12 =	simm.s32 $0xD200  }
0xa9: {  	[tilespmem:s12], [sflag:$0x2] =	stream.indirect_vreg.gather [hbm4b:s1+s3], $0x80, v4, vm0, $0xb8;
	[tilespmem:$0x10200] =	vst v63  }
0xaa: {  	s12 =	simm.s32 $0xDA00  }
0xab: {  	[tilespmem:s12], [sflag:$0x2] =	stream.indirect_vreg.gather [hbm4b:s1+s3], $0x80, v3, vm0, $0xb8;
	[tilespmem:$0x10200] =	vst v63  }
0xac: {  	v3 =	vld [tilespmem:$0xE0];
	_ =	sdelay $0x4  }
0xad: {  	v46 =	vshll.u32 v3, $0x1  }
0xae: {  	v3 =	vand.u32 $0x7, v3;
	v4 =	vand.u32 $0xFFFFFFF0, v46  }
0xaf: {  	v3 =	vor.u32 v3, v4  }
0xb0: {  	v4 =	vperm.xlane v3, v0;
	_ =	sdelay $0x1  }
0xb1: {  	v3 =	vperm.xlane v3, v2;
	v4 =	vadd.s32 v1, v4;
	_ =	sdelay $0x1  }
0xb2: {  	v3 =	vadd.s32 v1, v3;
	_ =	sdelay $0x1  }
0xb3: {  	s12 =	simm.s32 $0xE200  }
0xb4: {  	[tilespmem:s12], [sflag:$0x2] =	stream.indirect_vreg.gather [hbm4b:s1+s3], $0x80, v4, vm0, $0xb8;
	[tilespmem:$0x10200] =	vst v63  }
0xb5: {  	s12 =	simm.s32 $0xEA00  }
0xb6: {  	[tilespmem:s12], [sflag:$0x2] =	stream.indirect_vreg.gather [hbm4b:s1+s3], $0x80, v3, vm0, $0xb8;
	[tilespmem:$0x10200] =	vst v63  }
0xb7: {  	v3 =	vld [tilespmem:$0xF0];
	_ =	sdelay $0x4  }
0xb8: {  	v47 =	vshll.u32 v3, $0x1  }
0xb9: {  	v3 =	vand.u32 $0x7, v3;
	v4 =	vand.u32 $0xFFFFFFF0, v47  }
0xba: {  	v3 =	vor.u32 v3, v4  }
0xbb: {  	v4 =	vperm.xlane v3, v0;
	_ =	sdelay $0x1  }
0xbc: {  	v3 =	vperm.xlane v3, v2;
	v4 =	vadd.s32 v1, v4;
	_ =	sdelay $0x1  }
0xbd: {  	v3 =	vadd.s32 v1, v3;
	_ =	sdelay $0x1  }
0xbe: {  	s12 =	simm.s32 $0xF200  }
0xbf: {  	[tilespmem:s12], [sflag:$0x2] =	stream.indirect_vreg.gather [hbm4b:s1+s3], $0x80, v4, vm0, $0xb8;
	[tilespmem:$0x10200] =	vst v63  }
0xc0: {  	s12 =	simm.s32 $0xFA00  }
0xc1: {  	[tilespmem:s12], [sflag:$0x2] =	stream.indirect_vreg.gather [hbm4b:s1+s3], $0x80, v3, vm0, $0xb8;
	[tilespmem:$0x10200] =	vst v63  }
0xc2: {  	s12 =	rddreg [dreg:$0x8]  }
0xc3: {  	[hbm4b:s12+s3] =	stream.linear.scatter [tilespmem:s15], [sflag:$0x3], $0x8000, $0x38;
	[tilespmem:$0x10200] =	vst v63  }
0xc4: {  	_ =	swait.ge [sflag:s6], $0x8000  }
0xc5: {  	[sflag:s6] =	ssyncset.done $0x0  }
0xc6: {  	[sflag:s6] =	ssyncadd.s32 $0xFFFF8000  }
0xc7: {  	_ =	swait.ge [sflag:s7], $0x8000  }
0xc8: {  	[sflag:s7] =	ssyncset.done $0x0  }
0xc9: {  	[sflag:s7] =	ssyncadd.s32 $0xFFFF8000  }
0xca: {  	v3 =	vld [tilespmem:$0x100];
	_ =	sdelay $0x4  }
0xcb: {  	v48 =	vshll.u32 v3, $0x1  }
0xcc: {  	v3 =	vand.u32 $0x7, v3;
	v4 =	vand.u32 $0xFFFFFFF0, v48  }
0xcd: {  	v3 =	vor.u32 v3, v4  }
0xce: {  	v4 =	vperm.xlane v3, v0;
	_ =	sdelay $0x1  }
0xcf: {  	v3 =	vperm.xlane v3, v2;
	v4 =	vadd.s32 v1, v4;
	_ =	sdelay $0x1  }
0xd0: {  	v3 =	vadd.s32 v1, v3;
	_ =	sdelay $0x2  }
0xd1: {  	[tilespmem:s15], [sflag:$0x1] =	stream.indirect_vreg.gather [hbm4b:s1+s3], $0x80, v4, vm0, $0xb8;
	[tilespmem:$0x10200] =	vst v63  }
0xd2: {  	_ = 	snop  }
0xd3: {  	[tilespmem:s16], [sflag:$0x1] =	stream.indirect_vreg.gather [hbm4b:s1+s3], $0x80, v3, vm0, $0xb8;
	[tilespmem:$0x10200] =	vst v63  }
0xd4: {  	v3 =	vld [tilespmem:$0x110];
	_ =	sdelay $0x4  }
0xd5: {  	v49 =	vshll.u32 v3, $0x1  }
0xd6: {  	v3 =	vand.u32 $0x7, v3;
	v4 =	vand.u32 $0xFFFFFFF0, v49  }
0xd7: {  	v3 =	vor.u32 v3, v4  }
0xd8: {  	v4 =	vperm.xlane v3, v0;
	_ =	sdelay $0x1  }
0xd9: {  	v3 =	vperm.xlane v3, v2;
	v4 =	vadd.s32 v1, v4;
	_ =	sdelay $0x1  }
0xda: {  	v3 =	vadd.s32 v1, v3;
	_ =	sdelay $0x2  }
0xdb: {  	[tilespmem:s17], [sflag:$0x1] =	stream.indirect_vreg.gather [hbm4b:s1+s3], $0x80, v4, vm0, $0xb8;
	[tilespmem:$0x10200] =	vst v63  }
0xdc: {  	_ = 	snop  }
0xdd: {  	[tilespmem:s18], [sflag:$0x1] =	stream.indirect_vreg.gather [hbm4b:s1+s3], $0x80, v3, vm0, $0xb8;
	[tilespmem:$0x10200] =	vst v63  }
0xde: {  	v3 =	vld [tilespmem:$0x120];
	_ =	sdelay $0x4  }
0xdf: {  	v50 =	vshll.u32 v3, $0x1  }
0xe0: {  	v3 =	vand.u32 $0x7, v3;
	v4 =	vand.u32 $0xFFFFFFF0, v50  }
0xe1: {  	v3 =	vor.u32 v3, v4  }
0xe2: {  	v4 =	vperm.xlane v3, v0;
	_ =	sdelay $0x1  }
0xe3: {  	v3 =	vperm.xlane v3, v2;
	v4 =	vadd.s32 v1, v4;
	_ =	sdelay $0x1  }
0xe4: {  	v3 =	vadd.s32 v1, v3;
	_ =	sdelay $0x2  }
0xe5: {  	[tilespmem:s19], [sflag:$0x1] =	stream.indirect_vreg.gather [hbm4b:s1+s3], $0x80, v4, vm0, $0xb8;
	[tilespmem:$0x10200] =	vst v63  }
0xe6: {  	_ = 	snop  }
0xe7: {  	[tilespmem:s20], [sflag:$0x1] =	stream.indirect_vreg.gather [hbm4b:s1+s3], $0x80, v3, vm0, $0xb8;
	[tilespmem:$0x10200] =	vst v63  }
0xe8: {  	v3 =	vld [tilespmem:$0x130];
	_ =	sdelay $0x4  }
0xe9: {  	v51 =	vshll.u32 v3, $0x1  }
0xea: {  	v3 =	vand.u32 $0x7, v3;
	v4 =	vand.u32 $0xFFFFFFF0, v51  }
0xeb: {  	v3 =	vor.u32 v3, v4  }
0xec: {  	v4 =	vperm.xlane v3, v0;
	_ =	sdelay $0x1  }
0xed: {  	v3 =	vperm.xlane v3, v2;
	v4 =	vadd.s32 v1, v4;
	_ =	sdelay $0x1  }
0xee: {  	v3 =	vadd.s32 v1, v3;
	_ =	sdelay $0x2  }
0xef: {  	[tilespmem:s21], [sflag:$0x1] =	stream.indirect_vreg.gather [hbm4b:s1+s3], $0x80, v4, vm0, $0xb8;
	[tilespmem:$0x10200] =	vst v63  }
0xf0: {  	_ = 	snop  }
0xf1: {  	[tilespmem:s22], [sflag:$0x1] =	stream.indirect_vreg.gather [hbm4b:s1+s3], $0x80, v3, vm0, $0xb8;
	[tilespmem:$0x10200] =	vst v63  }
0xf2: {  	v3 =	vld [tilespmem:$0x140];
	_ =	sdelay $0x4  }
0xf3: {  	v52 =	vshll.u32 v3, $0x1  }
0xf4: {  	v3 =	vand.u32 $0x7, v3;
	v4 =	vand.u32 $0xFFFFFFF0, v52  }
0xf5: {  	v3 =	vor.u32 v3, v4  }
0xf6: {  	v4 =	vperm.xlane v3, v0;
	_ =	sdelay $0x1  }
0xf7: {  	v3 =	vperm.xlane v3, v2;
	v4 =	vadd.s32 v1, v4;
	_ =	sdelay $0x1  }
0xf8: {  	v3 =	vadd.s32 v1, v3;
	_ =	sdelay $0x2  }
0xf9: {  	[tilespmem:s25], [sflag:$0x1] =	stream.indirect_vreg.gather [hbm4b:s1+s3], $0x80, v4, vm0, $0xb8;
	[tilespmem:$0x10200] =	vst v63  }
0xfa: {  	_ = 	snop  }
0xfb: {  	[tilespmem:s26], [sflag:$0x1] =	stream.indirect_vreg.gather [hbm4b:s1+s3], $0x80, v3, vm0, $0xb8;
	[tilespmem:$0x10200] =	vst v63  }
0xfc: {  	v3 =	vld [tilespmem:$0x150];
	_ =	sdelay $0x4  }
0xfd: {  	v53 =	vshll.u32 v3, $0x1  }
0xfe: {  	v3 =	vand.u32 $0x7, v3;
	v4 =	vand.u32 $0xFFFFFFF0, v53  }
0xff: {  	v3 =	vor.u32 v3, v4  }
0x100: {  	v4 =	vperm.xlane v3, v0;
	_ =	sdelay $0x1  }
0x101: {  	v3 =	vperm.xlane v3, v2;
	v4 =	vadd.s32 v1, v4;
	_ =	sdelay $0x1  }
0x102: {  	v3 =	vadd.s32 v1, v3;
	_ =	sdelay $0x2  }
0x103: {  	[tilespmem:s28], [sflag:$0x1] =	stream.indirect_vreg.gather [hbm4b:s1+s3], $0x80, v4, vm0, $0xb8;
	[tilespmem:$0x10200] =	vst v63  }
0x104: {  	_ = 	snop  }
0x105: {  	[tilespmem:s29], [sflag:$0x1] =	stream.indirect_vreg.gather [hbm4b:s1+s3], $0x80, v3, vm0, $0xb8;
	[tilespmem:$0x10200] =	vst v63  }
0x106: {  	v3 =	vld [tilespmem:$0x160];
	_ =	sdelay $0x4  }
0x107: {  	v54 =	vshll.u32 v3, $0x1  }
0x108: {  	v3 =	vand.u32 $0x7, v3;
	v4 =	vand.u32 $0xFFFFFFF0, v54  }
0x109: {  	v3 =	vor.u32 v3, v4  }
0x10a: {  	v4 =	vperm.xlane v3, v0;
	_ =	sdelay $0x1  }
0x10b: {  	v3 =	vperm.xlane v3, v2;
	v4 =	vadd.s32 v1, v4;
	_ =	sdelay $0x1  }
0x10c: {  	v3 =	vadd.s32 v1, v3;
	_ =	sdelay $0x2  }
0x10d: {  	[tilespmem:s30], [sflag:$0x1] =	stream.indirect_vreg.gather [hbm4b:s1+s3], $0x80, v4, vm0, $0xb8;
	[tilespmem:$0x10200] =	vst v63  }
0x10e: {  	_ = 	snop  }
0x10f: {  	[tilespmem:s31], [sflag:$0x1] =	stream.indirect_vreg.gather [hbm4b:s1+s3], $0x80, v3, vm0, $0xb8;
	[tilespmem:$0x10200] =	vst v63  }
0x110: {  	v3 =	vld [tilespmem:$0x170];
	_ =	sdelay $0x4  }
0x111: {  	v55 =	vshll.u32 v3, $0x1  }
0x112: {  	v3 =	vand.u32 $0x7, v3;
	v4 =	vand.u32 $0xFFFFFFF0, v55  }
0x113: {  	v3 =	vor.u32 v3, v4  }
0x114: {  	v4 =	vperm.xlane v3, v0;
	_ =	sdelay $0x1  }
0x115: {  	v3 =	vperm.xlane v3, v2;
	v4 =	vadd.s32 v1, v4;
	_ =	sdelay $0x1  }
0x116: {  	v3 =	vadd.s32 v1, v3;
	_ =	sdelay $0x2  }
0x117: {  	[tilespmem:s2], [sflag:$0x1] =	stream.indirect_vreg.gather [hbm4b:s1+s3], $0x80, v4, vm0, $0xb8;
	[tilespmem:$0x10200] =	vst v63  }
0x118: {  	_ = 	snop  }
0x119: {  	[tilespmem:s4], [sflag:$0x1] =	stream.indirect_vreg.gather [hbm4b:s1+s3], $0x80, v3, vm0, $0xb8;
	[tilespmem:$0x10200] =	vst v63  }
0x11a: {  	s16 =	rddreg [dreg:$0x5]  }
0x11b: {  	[hbm4b:s16+s3] =	stream.linear.scatter [tilespmem:s23], [sflag:$0x3], $0x8000, $0x38;
	[tilespmem:$0x10200] =	vst v63  }
0x11c: {  	_ =	swait.ge [sflag:s6], $0x8000  }
0x11d: {  	[sflag:s6] =	ssyncset.done $0x0  }
0x11e: {  	[sflag:s6] =	ssyncadd.s32 $0xFFFF8000  }
0x11f: {  	_ =	swait.ge [sflag:s0], $0x8000  }
0x120: {  	[sflag:s0] =	ssyncset.done $0x0  }
0x121: {  	[sflag:s0] =	ssyncadd.s32 $0xFFFF8000  }
0x122: {  	v3 =	vld [tilespmem:$0x180];
	_ =	sdelay $0x4  }
0x123: {  	v56 =	vshll.u32 v3, $0x1  }
0x124: {  	v3 =	vand.u32 $0x7, v3;
	v4 =	vand.u32 $0xFFFFFFF0, v56  }
0x125: {  	v3 =	vor.u32 v3, v4  }
0x126: {  	v4 =	vperm.xlane v3, v0;
	_ =	sdelay $0x1  }
0x127: {  	v3 =	vperm.xlane v3, v2;
	v4 =	vadd.s32 v1, v4;
	_ =	sdelay $0x1  }
0x128: {  	v3 =	vadd.s32 v1, v3;
	_ =	sdelay $0x2  }
0x129: {  	[tilespmem:s23], [sflag:$0x2] =	stream.indirect_vreg.gather [hbm4b:s1+s3], $0x80, v4, vm0, $0xb8;
	[tilespmem:$0x10200] =	vst v63  }
0x12a: {  	_ = 	snop  }
0x12b: {  	[tilespmem:s8], [sflag:$0x2] =	stream.indirect_vreg.gather [hbm4b:s1+s3], $0x80, v3, vm0, $0xb8;
	[tilespmem:$0x10200] =	vst v63  }
0x12c: {  	v3 =	vld [tilespmem:$0x190];
	_ =	sdelay $0x4  }
0x12d: {  	v57 =	vshll.u32 v3, $0x1  }
0x12e: {  	v3 =	vand.u32 $0x7, v3;
	v4 =	vand.u32 $0xFFFFFFF0, v57  }
0x12f: {  	v3 =	vor.u32 v3, v4  }
0x130: {  	v4 =	vperm.xlane v3, v0;
	_ =	sdelay $0x1  }
0x131: {  	v3 =	vperm.xlane v3, v2;
	v4 =	vadd.s32 v1, v4;
	_ =	sdelay $0x1  }
0x132: {  	v3 =	vadd.s32 v1, v3;
	_ =	sdelay $0x2  }
0x133: {  	[tilespmem:s9], [sflag:$0x2] =	stream.indirect_vreg.gather [hbm4b:s1+s3], $0x80, v4, vm0, $0xb8;
	[tilespmem:$0x10200] =	vst v63  }
0x134: {  	_ = 	snop  }
0x135: {  	[tilespmem:s10], [sflag:$0x2] =	stream.indirect_vreg.gather [hbm4b:s1+s3], $0x80, v3, vm0, $0xb8;
	[tilespmem:$0x10200] =	vst v63  }
0x136: {  	v3 =	vld [tilespmem:$0x1A0];
	_ =	sdelay $0x4  }
0x137: {  	v58 =	vshll.u32 v3, $0x1  }
0x138: {  	v3 =	vand.u32 $0x7, v3;
	v4 =	vand.u32 $0xFFFFFFF0, v58  }
0x139: {  	v3 =	vor.u32 v3, v4  }
0x13a: {  	v4 =	vperm.xlane v3, v0;
	_ =	sdelay $0x1  }
0x13b: {  	v3 =	vperm.xlane v3, v2;
	v4 =	vadd.s32 v1, v4;
	_ =	sdelay $0x1  }
0x13c: {  	v3 =	vadd.s32 v1, v3;
	_ =	sdelay $0x2  }
0x13d: {  	[tilespmem:s11], [sflag:$0x2] =	stream.indirect_vreg.gather [hbm4b:s1+s3], $0x80, v4, vm0, $0xb8;
	[tilespmem:$0x10200] =	vst v63  }
0x13e: {  	s16 =	simm.s32 $0xAA00  }
0x13f: {  	[tilespmem:s16], [sflag:$0x2] =	stream.indirect_vreg.gather [hbm4b:s1+s3], $0x80, v3, vm0, $0xb8;
	[tilespmem:$0x10200] =	vst v63  }
0x140: {  	v3 =	vld [tilespmem:$0x1B0];
	_ =	sdelay $0x4  }
0x141: {  	v59 =	vshll.u32 v3, $0x1  }
0x142: {  	v3 =	vand.u32 $0x7, v3;
	v4 =	vand.u32 $0xFFFFFFF0, v59  }
0x143: {  	v3 =	vor.u32 v3, v4  }
0x144: {  	v4 =	vperm.xlane v3, v0;
	_ =	sdelay $0x1  }
0x145: {  	v3 =	vperm.xlane v3, v2;
	v4 =	vadd.s32 v1, v4;
	_ =	sdelay $0x1  }
0x146: {  	v3 =	vadd.s32 v1, v3;
	_ =	sdelay $0x2  }
0x147: {  	[tilespmem:s13], [sflag:$0x2] =	stream.indirect_vreg.gather [hbm4b:s1+s3], $0x80, v4, vm0, $0xb8;
	[tilespmem:$0x10200] =	vst v63  }
0x148: {  	_ = 	snop  }
0x149: {  	[tilespmem:s14], [sflag:$0x2] =	stream.indirect_vreg.gather [hbm4b:s1+s3], $0x80, v3, vm0, $0xb8;
	[tilespmem:$0x10200] =	vst v63  }
0x14a: {  	v3 =	vld [tilespmem:$0x1C0];
	_ =	sdelay $0x4  }
0x14b: {  	v60 =	vshll.u32 v3, $0x1  }
0x14c: {  	v3 =	vand.u32 $0x7, v3;
	v4 =	vand.u32 $0xFFFFFFF0, v60  }
0x14d: {  	v3 =	vor.u32 v3, v4  }
0x14e: {  	v4 =	vperm.xlane v3, v0;
	_ =	sdelay $0x1  }
0x14f: {  	v3 =	vperm.xlane v3, v2;
	v4 =	vadd.s32 v1, v4;
	_ =	sdelay $0x1  }
0x150: {  	v3 =	vadd.s32 v1, v3;
	_ =	sdelay $0x1  }
0x151: {  	s16 =	simm.s32 $0xC200  }
0x152: {  	[tilespmem:s16], [sflag:$0x2] =	stream.indirect_vreg.gather [hbm4b:s1+s3], $0x80, v4, vm0, $0xb8;
	[tilespmem:$0x10200] =	vst v63  }
0x153: {  	_ = 	snop  }
0x154: {  	[tilespmem:s24], [sflag:$0x2] =	stream.indirect_vreg.gather [hbm4b:s1+s3], $0x80, v3, vm0, $0xb8;
	[tilespmem:$0x10200] =	vst v63  }
0x155: {  	v3 =	vld [tilespmem:$0x1D0];
	_ =	sdelay $0x4  }
0x156: {  	v61 =	vshll.u32 v3, $0x1  }
0x157: {  	v3 =	vand.u32 $0x7, v3;
	v4 =	vand.u32 $0xFFFFFFF0, v61  }
0x158: {  	v3 =	vor.u32 v3, v4  }
0x159: {  	v4 =	vperm.xlane v3, v0;
	_ =	sdelay $0x1  }
0x15a: {  	v3 =	vperm.xlane v3, v2;
	v4 =	vadd.s32 v1, v4;
	_ =	sdelay $0x1  }
0x15b: {  	v3 =	vadd.s32 v1, v3;
	_ =	sdelay $0x1  }
0x15c: {  	s16 =	simm.s32 $0xD200  }
0x15d: {  	[tilespmem:s16], [sflag:$0x2] =	stream.indirect_vreg.gather [hbm4b:s1+s3], $0x80, v4, vm0, $0xb8;
	[tilespmem:$0x10200] =	vst v63  }
0x15e: {  	s16 =	simm.s32 $0xDA00  }
0x15f: {  	[tilespmem:s16], [sflag:$0x2] =	stream.indirect_vreg.gather [hbm4b:s1+s3], $0x80, v3, vm0, $0xb8;
	[tilespmem:$0x10200] =	vst v63  }
0x160: {  	v3 =	vld [tilespmem:$0x1E0];
	_ =	sdelay $0x4  }
0x161: {  	v62 =	vshll.u32 v3, $0x1  }
0x162: {  	v3 =	vand.u32 $0x7, v3;
	v4 =	vand.u32 $0xFFFFFFF0, v62  }
0x163: {  	v3 =	vor.u32 v3, v4  }
0x164: {  	v4 =	vperm.xlane v3, v0;
	_ =	sdelay $0x1  }
0x165: {  	v3 =	vperm.xlane v3, v2;
	v4 =	vadd.s32 v1, v4;
	_ =	sdelay $0x1  }
0x166: {  	v3 =	vadd.s32 v1, v3;
	_ =	sdelay $0x1  }
0x167: {  	s16 =	simm.s32 $0xE200  }
0x168: {  	[tilespmem:s16], [sflag:$0x2] =	stream.indirect_vreg.gather [hbm4b:s1+s3], $0x80, v4, vm0, $0xb8;
	[tilespmem:$0x10200] =	vst v63  }
0x169: {  	s16 =	simm.s32 $0xEA00  }
0x16a: {  	[tilespmem:s16], [sflag:$0x2] =	stream.indirect_vreg.gather [hbm4b:s1+s3], $0x80, v3, vm0, $0xb8;
	[tilespmem:$0x10200] =	vst v63  }
0x16b: {  	v3 =	vld [tilespmem:$0x1F0];
	_ =	sdelay $0x4  }
0x16c: {  	v63 =	vshll.u32 v3, $0x1  }
0x16d: {  	v3 =	vand.u32 $0x7, v3;
	v4 =	vand.u32 $0xFFFFFFF0, v63  }
0x16e: {  	v3 =	vor.u32 v3, v4  }
0x16f: {  	v4 =	vperm.xlane v3, v0;
	_ =	sdelay $0x1  }
0x170: {  	v3 =	vperm.xlane v3, v2;
	v4 =	vadd.s32 v1, v4;
	_ =	sdelay $0x1  }
0x171: {  	v3 =	vadd.s32 v1, v3;
	_ =	sdelay $0x1  }
0x172: {  	s16 =	simm.s32 $0xF200  }
0x173: {  	[tilespmem:s16], [sflag:$0x2] =	stream.indirect_vreg.gather [hbm4b:s1+s3], $0x80, v4, vm0, $0xb8;
	[tilespmem:$0x10200] =	vst v63  }
0x174: {  	s0 =	simm.s32 $0xFA00  }
0x175: {  	[tilespmem:s0], [sflag:$0x2] =	stream.indirect_vreg.gather [hbm4b:s1+s3], $0x80, v3, vm0, $0xb8;
	[tilespmem:$0x10200] =	vst v63  }
0x176: {  	s12 =	simm.s32 $0x200;
	s16 =	rddreg [dreg:$0x6]  }
0x177: {  	[hbm4b:s16+s3] =	stream.linear.scatter [tilespmem:s12], [sflag:$0x3], $0x8000, $0x38;
	[tilespmem:$0x10200] =	vst v63  }
0x178: {  	_ =	swait.ge [sflag:s6], $0x8000  }
0x179: {  	[sflag:s6] =	ssyncset.done $0x0  }
0x17a: {  	[sflag:s6] =	ssyncadd.s32 $0xFFFF8000  }
0x17b: {  	_ =	swait.ge [sflag:s7], $0x8000  }
0x17c: {  	p0 =	sne.s32 s5, $0x1;
	[sflag:s7] =	ssyncset.done $0x0  }
.Ltmp0:
0x17d: {  	s12 =	rddreg [dreg:$0x7];
	[sflag:s7] =	ssyncadd.s32 $0xFFFF8000;
	(pc) =	sbr.rel @p0 .LBB2_1-.Ltmp0, $4  }
0x17e: {  	[hbm4b:s12+s3] =	stream.linear.scatter [tilespmem:s23], [sflag:$0x3], $0x8000, $0x38;
	[tilespmem:$0x10200] =	vst v63  }
0x17f: {  	_ =	swait.ge [sflag:s6], $0x8000  }
0x180: {  	[sflag:s6] =	ssyncset.done $0x0  }
0x181: {  	s5 =	sadd.s32 $0xFFFFFFFF, s5;
	[sflag:s6] =	ssyncadd.s32 $0xFFFF8000  }
0x182: {  	_ =	sfence.sel $0x180000  }
0x183: {  	[bflag:$0x0] =	sbarrier.arrive $0xFFFF  }
0x184: {  	_ =	strace $0x90000047  }
0x185: {  	s0 =	stileid.u32;
	[bflag:$0x2] =	sbarrier.arrive $0xFFFF  }
0x186: {  	p0 =	sne.s32 s0, $0x0;
	s0 =	rddreg [dreg:$0x3]  }
0x187: {  	s0 =	sadd.s32 @!p0 $0x100000, s0  }
0x188: {  	[sflag:s0] =	ssyncadd.tile.s32 @!p0 $0x1;
	_ =	shalt  }
.Lfunc_end2:
_tile_overlayer_lowered:
.L_overlay_start_2:
0x189: {  	(tag) =	ssettag $0x2  }
0x18a: {  	s0 =	rddreg [dreg:$0x0];
	s2 =	stileid.u32  }
0x18b: {  	s1 =	rddreg [dreg:$0x1];
	p0 =	sne.s32 s2, $0x0  }
0x18c: {  	s3 =	rddreg [dreg:$0x2];
	[bflag:$0x3] =	sbarrier.arrive $0xFFFF;
	s2 =	simm.s32 @!p0 $0x1C03  }
0x18d: {  	[timem:s3], [sflag:s2] =	dma.local @!p0 [hbm:s0], s1  }
0x18e: {  	s0 =	simm.s32 @!p0 $0x3  }
0x18f: {  	_ =	swait.ge @!p0 [sflag:s0], s1  }
0x190: {  	s1 =	ssub.s32 @!p0 $0x0, s1;
	[sflag:s0] =	ssyncset.done @!p0 $0x0  }
0x191: {  	[sflag:s0] =	ssyncadd.s32 @!p0 s1  }
0x192: {  	[bflag:$0x3] =	sbarrier.arrive $0xFFFF  }
0x193: {  	_ =	shalt  }

</sc_bundles>
